<compile_context>
chip_gen: v7x
topology: tpu7x:2x2x1
jax: 0.10.2.dev20260603
libtpu: 0.0.44.dev20260713+nightly
codegen_flags: <defaults>
</compile_context>

<pallas_src>
import functools

import jax
import jax.numpy as jnp
from jax import lax
from jax.experimental import pallas as pl
from jax.experimental.pallas import tpu as pltpu
from jax.experimental.pallas import tpu_sc as plsc

_T = 0.5
_EPS = 1e-9
_W = 16
_L = 16


def _sc_nms(np_):
    nb = np_ // _W
    nc = nb // _L
    mesh = plsc.VectorSubcoreMesh(core_axis_name="c", subcore_axis_name="s")

    def body(b0h, b1h, b2h, b3h, ssh, ksh, kph,
             b0v, b1v, b2v, b3v, x1, y1, x2, y2, ar,
             keepb, kbb, ssb, osc, keep_sh):
        cid = lax.axis_index("c")
        w = lax.axis_index("s")
        active = cid == 0
        base = w * nb
        lane = lax.broadcasted_iota(jnp.int32, (_L,), 0)

        def extract(ref, g):
            return ref[pl.ds(g, _L)][0]

        @pl.when(active)
        def _stage():
            pltpu.sync_copy(b0h, b0v.at[pl.ds(0, np_)])
            pltpu.sync_copy(b1h, b1v.at[pl.ds(0, np_)])
            pltpu.sync_copy(b2h, b2v.at[pl.ds(0, np_)])
            pltpu.sync_copy(b3h, b3v.at[pl.ds(0, np_)])
            pltpu.sync_copy(ssh.at[pl.ds(base, nb)], ssb)

            def norm(i, _):
                o = i * _L
                c0 = b0v[pl.ds(o, _L)]
                c1 = b1v[pl.ds(o, _L)]
                c2 = b2v[pl.ds(o, _L)]
                c3 = b3v[pl.ds(o, _L)]
                vx1 = jnp.minimum(c0, c2)
                vy1 = jnp.minimum(c1, c3)
                vx2 = jnp.maximum(c0, c2)
                vy2 = jnp.maximum(c1, c3)
                x1[pl.ds(o, _L)] = vx1
                y1[pl.ds(o, _L)] = vy1
                x2[pl.ds(o, _L)] = vx2
                y2[pl.ds(o, _L)] = vy2
                ar[pl.ds(o, _L)] = (vx2 - vx1) * (vy2 - vy1)
                return 0

            lax.fori_loop(0, np_ // _L, norm, 0)

            def initk(i, _):
                keepb[pl.ds(i * _L, _L)] = jnp.ones((_L,), jnp.float32)
                return 0

            lax.fori_loop(0, nc, initk, 0)

        def suppress_by(g, c_lo):
            sx1 = extract(x1, g)
            sy1 = extract(y1, g)
            sx2 = extract(x2, g)
            sy2 = extract(y2, g)
            sar = extract(ar, g)

            def sub(c, _):
                o = c * _L
                tx1 = x1[pl.ds(base + o, _L)]
                ty1 = y1[pl.ds(base + o, _L)]
                tx2 = x2[pl.ds(base + o, _L)]
                ty2 = y2[pl.ds(base + o, _L)]
                tar = ar[pl.ds(base + o, _L)]
                xx1 = jnp.maximum(tx1, sx1)
                yy1 = jnp.maximum(ty1, sy1)
                xx2 = jnp.minimum(tx2, sx2)
                yy2 = jnp.minimum(ty2, sy2)
                iw = jnp.maximum(xx2 - xx1, 0.0)
                ih = jnp.maximum(yy2 - yy1, 0.0)
                inter = iw * ih
                union = (sar + tar) - inter
                m = (inter / (union + _EPS)) > _T
                m = m & ((base + o + lane) > g)
                kc = keepb[pl.ds(o, _L)]
                keepb[pl.ds(o, _L)] = jnp.where(m, 0.0, kc)
                return 0

            lax.fori_loop(c_lo, nc, sub, 0)

        def biter(b, _):
            @pl.when(active & (w == b))
            def _intra():
                def step(k, _):
                    kk = extract(keepb, k)

                    @pl.when(kk > 0.0)
                    def _s():
                        suppress_by(base + k, k // _L)

                    return 0

                lax.fori_loop(0, nb, step, 0)
                pltpu.sync_copy(keepb.at[pl.ds(0, nb)], keep_sh.at[pl.ds(w * nb, nb)])

            plsc.subcore_barrier()

            @pl.when(active & (w > b))
            def _cross():
                pltpu.sync_copy(keep_sh.at[pl.ds(b * nb, nb)], kbb.at[pl.ds(0, nb)])

                def step(k, _):
                    kk = extract(kbb, k)

                    @pl.when(kk > 0.0)
                    def _s():
                        suppress_by(b * nb + k, 0)

                    return 0

                lax.fori_loop(0, nb, step, 0)

            return 0

        lax.fori_loop(0, _W, biter, 0)

        @pl.when(active)
        def _out():
            def fin(c, _):
                o = c * _L
                osc[pl.ds(o, _L)] = ssb[pl.ds(o, _L)] * keepb[pl.ds(o, _L)]
                return 0

            lax.fori_loop(0, nc, fin, 0)
            pltpu.sync_copy(osc, ksh.at[pl.ds(base, nb)])
            pltpu.sync_copy(keepb.at[pl.ds(0, nb)], kph.at[pl.ds(base, nb)])

    f = functools.partial(
        pl.kernel,
        out_type=[
            jax.ShapeDtypeStruct((np_,), jnp.float32),
            jax.ShapeDtypeStruct((np_,), jnp.float32),
        ],
        mesh=mesh,
        scratch_types=[
            pltpu.VMEM((np_ + _L,), jnp.float32),
            pltpu.VMEM((np_ + _L,), jnp.float32),
            pltpu.VMEM((np_ + _L,), jnp.float32),
            pltpu.VMEM((np_ + _L,), jnp.float32),
            pltpu.VMEM((np_ + _L,), jnp.float32),
            pltpu.VMEM((np_ + _L,), jnp.float32),
            pltpu.VMEM((np_ + _L,), jnp.float32),
            pltpu.VMEM((np_ + _L,), jnp.float32),
            pltpu.VMEM((np_ + _L,), jnp.float32),
            pltpu.VMEM((nb + _L,), jnp.float32),
            pltpu.VMEM((nb + _L,), jnp.float32),
            pltpu.VMEM((nb,), jnp.float32),
            pltpu.VMEM((nb,), jnp.float32),
            pltpu.HBM((_W * nb,), jnp.float32),
        ],
    )(body)
    return f


def kernel(boxes, scores):
    n = scores.shape[0]
    order = jnp.argsort(-scores)
    sb = boxes[order]
    ss = scores[order]
    np_ = ((n + 255) // 256) * 256
    pad = np_ - n
    sb_p = jnp.pad(sb, ((0, pad), (0, 0)))
    ss_p = jnp.pad(ss, ((0, pad),))

    ks_p, kp_p = _sc_nms(np_)(
        sb_p[:, 0], sb_p[:, 1], sb_p[:, 2], sb_p[:, 3], ss_p)

    keep = kp_p[:n] > 0.5
    return ks_p[:n], order, keep

# --- scband reference (transcript-rebuilt; emitter-appended) ---
"""Pipeline reference for scband-detectron2-model-29411936043222 (READ-ONLY COPY).

The authoritative reference and input builder live on the scoring server;
editing this copy changes nothing except your own understanding.
"""

import jax, jax.numpy as jnp
import numpy as np

N = 5000
IOU_THRESH = 0.5

def setup_inputs(seed: int = 0) -> dict:
    key = jax.random.key(seed)
    k1, k2 = jax.random.split(key)
    boxes = jax.random.uniform(k1, (N, 4), dtype=jnp.float32)
    scores = jax.random.uniform(k2, (N,), dtype=jnp.float32)
    return {"boxes": boxes, "scores": scores}

def _pairwise_iou(boxes):
    # normalize to well-formed corners (x1<=x2, y1<=y2)
    x1 = jnp.minimum(boxes[:, 0], boxes[:, 2])
    y1 = jnp.minimum(boxes[:, 1], boxes[:, 3])
    x2 = jnp.maximum(boxes[:, 0], boxes[:, 2])
    y2 = jnp.maximum(boxes[:, 1], boxes[:, 3])
    areas = (x2 - x1) * (y2 - y1)
    xx1 = jnp.maximum(x1[:, None], x1[None, :])
    yy1 = jnp.maximum(y1[:, None], y1[None, :])
    xx2 = jnp.minimum(x2[:, None], x2[None, :])
    yy2 = jnp.minimum(y2[:, None], y2[None, :])
    w = jnp.clip(xx2 - xx1, 0.0)
    h = jnp.clip(yy2 - yy1, 0.0)
    inter = w * h
    union = areas[:, None] + areas[None, :] - inter
    return inter / (union + 1e-9)

def reference(boxes, scores):
    # greedy NMS as in Detectron2's box-level suppression (NMS_THRESH_TEST=0.5)
    n = scores.shape[0]
    order = jnp.argsort(-scores)
    sorted_boxes = boxes[order]
    sorted_scores = scores[order]
    iou = _pairwise_iou(sorted_boxes)
    idx = jnp.arange(n)

    def body(i, keep):
        suppress = (iou[i] > IOU_THRESH) & (idx > i)
        return jnp.where(keep[i], keep & (~suppress), keep)

    keep = jax.lax.fori_loop(0, n, body, jnp.ones((n,), dtype=bool))
    kept_scores = sorted_scores * keep.astype(sorted_scores.dtype)
    return kept_scores, order, keep

if __name__ == "__main__":
    import jax
    _d = setup_inputs()
    print(jax.jit(kernel)(*tuple(_d.values())))

</pallas_src>

<mosaic_0001>
#map = affine_map<(d0, d1) -> (0)>
module attributes {stable_mosaic.version = 14 : i64} {
  func.func @body(%arg0: i32, %arg1: i32, %arg2: memref<5120xf32, #tpu.memory_space<hbm>>, %arg3: memref<5120xf32, #tpu.memory_space<hbm>>, %arg4: memref<5120xf32, #tpu.memory_space<hbm>>, %arg5: memref<5120xf32, #tpu.memory_space<hbm>>, %arg6: memref<5120xf32, #tpu.memory_space<hbm>>, %arg7: memref<5120xf32, #tpu.memory_space<hbm>>, %arg8: memref<5120xf32, #tpu.memory_space<hbm>>, %arg9: memref<5136xf32, #tpu.memory_space<vmem>>, %arg10: memref<5136xf32, #tpu.memory_space<vmem>>, %arg11: memref<5136xf32, #tpu.memory_space<vmem>>, %arg12: memref<5136xf32, #tpu.memory_space<vmem>>, %arg13: memref<5136xf32, #tpu.memory_space<vmem>>, %arg14: memref<5136xf32, #tpu.memory_space<vmem>>, %arg15: memref<5136xf32, #tpu.memory_space<vmem>>, %arg16: memref<5136xf32, #tpu.memory_space<vmem>>, %arg17: memref<5136xf32, #tpu.memory_space<vmem>>, %arg18: memref<336xf32, #tpu.memory_space<vmem>>, %arg19: memref<336xf32, #tpu.memory_space<vmem>>, %arg20: memref<320xf32, #tpu.memory_space<vmem>>, %arg21: memref<320xf32, #tpu.memory_space<vmem>>, %arg22: memref<5120xf32, #tpu.memory_space<hbm>>) attributes {dimension_semantics = [#tpu.dimension_semantics<core_parallel>, #tpu.dimension_semantics<subcore_parallel>], iteration_bounds = array<i64: 2, 16>, scalar_prefetch = 0 : i64, scratch_operands = 14 : i64, tpu.core_type = #tpu.core_type<sc_vector_subcore>, window_params = [{transform_indices = #map}, {transform_indices = #map}, {transform_indices = #map}, {transform_indices = #map}, {transform_indices = #map}, {transform_indices = #map}, {transform_indices = #map}]} {
    %eq3A = arith.constant 0 : i32
    %eq3A_0 = arith.cmpi eq, %arg0, %eq3A : i32
    %mul3A = arith.constant 320 : i32
    %mul3A_1 = arith.muli %arg1, %mul3A : i32
    %iota3A = tpu.iota {dimensions = array<i32: 0>} : vector<16xi32>
    %convert_element_type3A = arith.extui %eq3A_0 : i1 to i32
    %cond3A = arith.constant 0 : i32
    %cond3A_2 = arith.cmpi ne, %convert_element_type3A, %cond3A : i32
    scf.if %cond3A_2 {
      "tpu.region"() ({
        %run_scoped3A = tpu.sem_alloc : memref<!tpu.dma_semaphore, #tpu.memory_space<semaphore_mem>>
        %dma_start3A = arith.constant 0 : i32
        %dma_start3A_26 = tpu.memref_slice %arg9[%dma_start3A] : memref<5136xf32, #tpu.memory_space<vmem>> -> memref<5120xf32, #tpu.memory_space<vmem>>
        %dma_start3A_27 = arith.constant 0 : i32
        %dma_start3A_28 = tpu.memref_slice %arg9[%dma_start3A_27] : memref<5136xf32, #tpu.memory_space<vmem>> -> memref<5120xf32, #tpu.memory_space<vmem>>
        tpu.enqueue_dma source(%arg2 : memref<5120xf32, #tpu.memory_space<hbm>>) target(%dma_start3A_28 : memref<5120xf32, #tpu.memory_space<vmem>>) target_semaphore(%run_scoped3A : memref<!tpu.dma_semaphore, #tpu.memory_space<semaphore_mem>>)
        %dma_wait3A = arith.constant 0 : i32
        %dma_wait3A_29 = tpu.memref_slice %arg9[%dma_wait3A] : memref<5136xf32, #tpu.memory_space<vmem>> -> memref<5120xf32, #tpu.memory_space<vmem>>
        %dma_wait3A_30 = arith.constant 0 : i32
        %dma_wait3A_31 = tpu.memref_slice %arg9[%dma_wait3A_30] : memref<5136xf32, #tpu.memory_space<vmem>> -> memref<5120xf32, #tpu.memory_space<vmem>>
        tpu.wait_dma2 semaphore(%run_scoped3A : memref<!tpu.dma_semaphore, #tpu.memory_space<semaphore_mem>>) src(%arg2 : memref<5120xf32, #tpu.memory_space<hbm>>) dst(%dma_wait3A_31 : memref<5120xf32, #tpu.memory_space<vmem>>)
        tpu.yield
      }) : () -> ()
      "tpu.region"() ({
        %run_scoped3A = tpu.sem_alloc : memref<!tpu.dma_semaphore, #tpu.memory_space<semaphore_mem>>
        %dma_start3A = arith.constant 0 : i32
        %dma_start3A_26 = tpu.memref_slice %arg10[%dma_start3A] : memref<5136xf32, #tpu.memory_space<vmem>> -> memref<5120xf32, #tpu.memory_space<vmem>>
        %dma_start3A_27 = arith.constant 0 : i32
        %dma_start3A_28 = tpu.memref_slice %arg10[%dma_start3A_27] : memref<5136xf32, #tpu.memory_space<vmem>> -> memref<5120xf32, #tpu.memory_space<vmem>>
        tpu.enqueue_dma source(%arg3 : memref<5120xf32, #tpu.memory_space<hbm>>) target(%dma_start3A_28 : memref<5120xf32, #tpu.memory_space<vmem>>) target_semaphore(%run_scoped3A : memref<!tpu.dma_semaphore, #tpu.memory_space<semaphore_mem>>)
        %dma_wait3A = arith.constant 0 : i32
        %dma_wait3A_29 = tpu.memref_slice %arg10[%dma_wait3A] : memref<5136xf32, #tpu.memory_space<vmem>> -> memref<5120xf32, #tpu.memory_space<vmem>>
        %dma_wait3A_30 = arith.constant 0 : i32
        %dma_wait3A_31 = tpu.memref_slice %arg10[%dma_wait3A_30] : memref<5136xf32, #tpu.memory_space<vmem>> -> memref<5120xf32, #tpu.memory_space<vmem>>
        tpu.wait_dma2 semaphore(%run_scoped3A : memref<!tpu.dma_semaphore, #tpu.memory_space<semaphore_mem>>) src(%arg3 : memref<5120xf32, #tpu.memory_space<hbm>>) dst(%dma_wait3A_31 : memref<5120xf32, #tpu.memory_space<vmem>>)
        tpu.yield
      }) : () -> ()
      "tpu.region"() ({
        %run_scoped3A = tpu.sem_alloc : memref<!tpu.dma_semaphore, #tpu.memory_space<semaphore_mem>>
        %dma_start3A = arith.constant 0 : i32
        %dma_start3A_26 = tpu.memref_slice %arg11[%dma_start3A] : memref<5136xf32, #tpu.memory_space<vmem>> -> memref<5120xf32, #tpu.memory_space<vmem>>
        %dma_start3A_27 = arith.constant 0 : i32
        %dma_start3A_28 = tpu.memref_slice %arg11[%dma_start3A_27] : memref<5136xf32, #tpu.memory_space<vmem>> -> memref<5120xf32, #tpu.memory_space<vmem>>
        tpu.enqueue_dma source(%arg4 : memref<5120xf32, #tpu.memory_space<hbm>>) target(%dma_start3A_28 : memref<5120xf32, #tpu.memory_space<vmem>>) target_semaphore(%run_scoped3A : memref<!tpu.dma_semaphore, #tpu.memory_space<semaphore_mem>>)
        %dma_wait3A = arith.constant 0 : i32
        %dma_wait3A_29 = tpu.memref_slice %arg11[%dma_wait3A] : memref<5136xf32, #tpu.memory_space<vmem>> -> memref<5120xf32, #tpu.memory_space<vmem>>
        %dma_wait3A_30 = arith.constant 0 : i32
        %dma_wait3A_31 = tpu.memref_slice %arg11[%dma_wait3A_30] : memref<5136xf32, #tpu.memory_space<vmem>> -> memref<5120xf32, #tpu.memory_space<vmem>>
        tpu.wait_dma2 semaphore(%run_scoped3A : memref<!tpu.dma_semaphore, #tpu.memory_space<semaphore_mem>>) src(%arg4 : memref<5120xf32, #tpu.memory_space<hbm>>) dst(%dma_wait3A_31 : memref<5120xf32, #tpu.memory_space<vmem>>)
        tpu.yield
      }) : () -> ()
      "tpu.region"() ({
        %run_scoped3A = tpu.sem_alloc : memref<!tpu.dma_semaphore, #tpu.memory_space<semaphore_mem>>
        %dma_start3A = arith.constant 0 : i32
        %dma_start3A_26 = tpu.memref_slice %arg12[%dma_start3A] : memref<5136xf32, #tpu.memory_space<vmem>> -> memref<5120xf32, #tpu.memory_space<vmem>>
        %dma_start3A_27 = arith.constant 0 : i32
        %dma_start3A_28 = tpu.memref_slice %arg12[%dma_start3A_27] : memref<5136xf32, #tpu.memory_space<vmem>> -> memref<5120xf32, #tpu.memory_space<vmem>>
        tpu.enqueue_dma source(%arg5 : memref<5120xf32, #tpu.memory_space<hbm>>) target(%dma_start3A_28 : memref<5120xf32, #tpu.memory_space<vmem>>) target_semaphore(%run_scoped3A : memref<!tpu.dma_semaphore, #tpu.memory_space<semaphore_mem>>)
        %dma_wait3A = arith.constant 0 : i32
        %dma_wait3A_29 = tpu.memref_slice %arg12[%dma_wait3A] : memref<5136xf32, #tpu.memory_space<vmem>> -> memref<5120xf32, #tpu.memory_space<vmem>>
        %dma_wait3A_30 = arith.constant 0 : i32
        %dma_wait3A_31 = tpu.memref_slice %arg12[%dma_wait3A_30] : memref<5136xf32, #tpu.memory_space<vmem>> -> memref<5120xf32, #tpu.memory_space<vmem>>
        tpu.wait_dma2 semaphore(%run_scoped3A : memref<!tpu.dma_semaphore, #tpu.memory_space<semaphore_mem>>) src(%arg5 : memref<5120xf32, #tpu.memory_space<hbm>>) dst(%dma_wait3A_31 : memref<5120xf32, #tpu.memory_space<vmem>>)
        tpu.yield
      }) : () -> ()
      "tpu.region"() ({
        %run_scoped3A = tpu.sem_alloc : memref<!tpu.dma_semaphore, #tpu.memory_space<semaphore_mem>>
        %dma_start3A = tpu.memref_slice %arg6[%mul3A_1] : memref<5120xf32, #tpu.memory_space<hbm>> -> memref<320xf32, #tpu.memory_space<hbm>>
        %dma_start3A_26 = tpu.memref_slice %arg6[%mul3A_1] : memref<5120xf32, #tpu.memory_space<hbm>> -> memref<320xf32, #tpu.memory_space<hbm>>
        tpu.enqueue_dma source(%dma_start3A_26 : memref<320xf32, #tpu.memory_space<hbm>>) target(%arg20 : memref<320xf32, #tpu.memory_space<vmem>>) target_semaphore(%run_scoped3A : memref<!tpu.dma_semaphore, #tpu.memory_space<semaphore_mem>>)
        %dma_wait3A = tpu.memref_slice %arg6[%mul3A_1] : memref<5120xf32, #tpu.memory_space<hbm>> -> memref<320xf32, #tpu.memory_space<hbm>>
        %dma_wait3A_27 = tpu.memref_slice %arg6[%mul3A_1] : memref<5120xf32, #tpu.memory_space<hbm>> -> memref<320xf32, #tpu.memory_space<hbm>>
        tpu.wait_dma2 semaphore(%run_scoped3A : memref<!tpu.dma_semaphore, #tpu.memory_space<semaphore_mem>>) src(%dma_wait3A_27 : memref<320xf32, #tpu.memory_space<hbm>>) dst(%arg20 : memref<320xf32, #tpu.memory_space<vmem>>)
        tpu.yield
      }) : () -> ()
      %scan3A_12 = arith.constant 0 : i32
      %scan3A_13 = arith.constant 0 : i32
      %scan3A_14 = arith.constant 320 : i32
      %scan3A_15 = arith.addi %scan3A_13, %scan3A_14 : i32
      %scan3A_16 = arith.constant 1 : i32
      %scan3A_17 = scf.for %scan3A_26 = %scan3A_13 to %scan3A_15 step %scan3A_16 iter_args(%scan3A_27 = %scan3A_12) -> (i32)  : i32 {
        %mul3A_28 = arith.constant 16 : i32
        %mul3A_29 = arith.muli %scan3A_26, %mul3A_28 : i32
        %get3A = arith.index_cast %mul3A_29 : i32 to index
        %get3A_30 = tpu.vector_load %arg9[%get3A] {strides = array<i32>} : memref<5136xf32, #tpu.memory_space<vmem>>, vector<16xf32>,
        %get3A_31 = vector.shape_cast %get3A_30 : vector<16xf32> to vector<16xf32>
        %get3A_32 = arith.index_cast %mul3A_29 : i32 to index
        %get3A_33 = tpu.vector_load %arg10[%get3A_32] {strides = array<i32>} : memref<5136xf32, #tpu.memory_space<vmem>>, vector<16xf32>,
        %get3A_34 = vector.shape_cast %get3A_33 : vector<16xf32> to vector<16xf32>
        %get3A_35 = arith.index_cast %mul3A_29 : i32 to index
        %get3A_36 = tpu.vector_load %arg11[%get3A_35] {strides = array<i32>} : memref<5136xf32, #tpu.memory_space<vmem>>, vector<16xf32>,
        %get3A_37 = vector.shape_cast %get3A_36 : vector<16xf32> to vector<16xf32>
        %get3A_38 = arith.index_cast %mul3A_29 : i32 to index
        %get3A_39 = tpu.vector_load %arg12[%get3A_38] {strides = array<i32>} : memref<5136xf32, #tpu.memory_space<vmem>>, vector<16xf32>,
        %get3A_40 = vector.shape_cast %get3A_39 : vector<16xf32> to vector<16xf32>
        %min3A = arith.minimumf %get3A_31, %get3A_37 : vector<16xf32>
        %min3A_41 = arith.minimumf %get3A_34, %get3A_40 : vector<16xf32>
        %max3A = arith.maximumf %get3A_31, %get3A_37 : vector<16xf32>
        %max3A_42 = arith.maximumf %get3A_34, %get3A_40 : vector<16xf32>
        %swap3A = arith.index_cast %mul3A_29 : i32 to index
        %swap3A_43 = tpu.vector_load %arg13[%swap3A] {strides = array<i32>} : memref<5136xf32, #tpu.memory_space<vmem>>, vector<16xf32>,
        %swap3A_44 = vector.shape_cast %swap3A_43 : vector<16xf32> to vector<16xf32>
        %swap3A_45 = vector.shape_cast %min3A : vector<16xf32> to vector<16xf32>
        tpu.vector_store %arg13[%swap3A], %swap3A_45 {strides = array<i32>} : memref<5136xf32, #tpu.memory_space<vmem>>, vector<16xf32>,
        %swap3A_46 = arith.index_cast %mul3A_29 : i32 to index
        %swap3A_47 = tpu.vector_load %arg14[%swap3A_46] {strides = array<i32>} : memref<5136xf32, #tpu.memory_space<vmem>>, vector<16xf32>,
        %swap3A_48 = vector.shape_cast %swap3A_47 : vector<16xf32> to vector<16xf32>
        %swap3A_49 = vector.shape_cast %min3A_41 : vector<16xf32> to vector<16xf32>
        tpu.vector_store %arg14[%swap3A_46], %swap3A_49 {strides = array<i32>} : memref<5136xf32, #tpu.memory_space<vmem>>, vector<16xf32>,
        %swap3A_50 = arith.index_cast %mul3A_29 : i32 to index
        %swap3A_51 = tpu.vector_load %arg15[%swap3A_50] {strides = array<i32>} : memref<5136xf32, #tpu.memory_space<vmem>>, vector<16xf32>,
        %swap3A_52 = vector.shape_cast %swap3A_51 : vector<16xf32> to vector<16xf32>
        %swap3A_53 = vector.shape_cast %max3A : vector<16xf32> to vector<16xf32>
        tpu.vector_store %arg15[%swap3A_50], %swap3A_53 {strides = array<i32>} : memref<5136xf32, #tpu.memory_space<vmem>>, vector<16xf32>,
        %swap3A_54 = arith.index_cast %mul3A_29 : i32 to index
        %swap3A_55 = tpu.vector_load %arg16[%swap3A_54] {strides = array<i32>} : memref<5136xf32, #tpu.memory_space<vmem>>, vector<16xf32>,
        %swap3A_56 = vector.shape_cast %swap3A_55 : vector<16xf32> to vector<16xf32>
        %swap3A_57 = vector.shape_cast %max3A_42 : vector<16xf32> to vector<16xf32>
        tpu.vector_store %arg16[%swap3A_54], %swap3A_57 {strides = array<i32>} : memref<5136xf32, #tpu.memory_space<vmem>>, vector<16xf32>,
        %sub3A = arith.subf %max3A, %min3A : vector<16xf32>
        %sub3A_58 = arith.subf %max3A_42, %min3A_41 : vector<16xf32>
        %mul3A_59 = arith.mulf %sub3A, %sub3A_58 : vector<16xf32>
        %swap3A_60 = arith.index_cast %mul3A_29 : i32 to index
        %swap3A_61 = tpu.vector_load %arg17[%swap3A_60] {strides = array<i32>} : memref<5136xf32, #tpu.memory_space<vmem>>, vector<16xf32>,
        %swap3A_62 = vector.shape_cast %swap3A_61 : vector<16xf32> to vector<16xf32>
        %swap3A_63 = vector.shape_cast %mul3A_59 : vector<16xf32> to vector<16xf32>
        tpu.vector_store %arg17[%swap3A_60], %swap3A_63 {strides = array<i32>} : memref<5136xf32, #tpu.memory_space<vmem>>, vector<16xf32>,
        %scan3A_64 = arith.constant 0 : i32
        scf.yield %scan3A_64 : i32
      }
      %scan3A_18 = arith.constant 320 : i32
      %scan3A_19 = arith.constant 0 : i32
      %scan3A_20 = arith.constant 0 : i32
      %scan3A_21 = arith.constant 20 : i32
      %scan3A_22 = arith.addi %scan3A_20, %scan3A_21 : i32
      %scan3A_23 = arith.constant 1 : i32
      %scan3A_24 = scf.for %scan3A_26 = %scan3A_20 to %scan3A_22 step %scan3A_23 iter_args(%scan3A_27 = %scan3A_19) -> (i32)  : i32 {
        %broadcast_in_dim3A = arith.constant 1.000000e+00 : f32
        %broadcast_in_dim3A_28 = vector.broadcast %broadcast_in_dim3A : f32 to vector<16xf32>
        %mul3A_29 = arith.constant 16 : i32
        %mul3A_30 = arith.muli %scan3A_26, %mul3A_29 : i32
        %swap3A = arith.index_cast %mul3A_30 : i32 to index
        %swap3A_31 = tpu.vector_load %arg18[%swap3A] {strides = array<i32>} : memref<336xf32, #tpu.memory_space<vmem>>, vector<16xf32>,
        %swap3A_32 = vector.shape_cast %swap3A_31 : vector<16xf32> to vector<16xf32>
        %swap3A_33 = vector.shape_cast %broadcast_in_dim3A_28 : vector<16xf32> to vector<16xf32>
        tpu.vector_store %arg18[%swap3A], %swap3A_33 {strides = array<i32>} : memref<336xf32, #tpu.memory_space<vmem>>, vector<16xf32>,
        %scan3A_34 = arith.constant 0 : i32
        scf.yield %scan3A_34 : i32
      }
      %scan3A_25 = arith.constant 20 : i32
    } else {
    }
    %scan3A = arith.constant 0 : i32
    %scan3A_3 = arith.constant 0 : i32
    %scan3A_4 = arith.constant 16 : i32
    %scan3A_5 = arith.addi %scan3A_3, %scan3A_4 : i32
    %scan3A_6 = arith.constant 1 : i32
    %scan3A_7 = scf.for %scan3A_12 = %scan3A_3 to %scan3A_5 step %scan3A_6 iter_args(%scan3A_13 = %scan3A) -> (i32)  : i32 {
      %eq3A_14 = arith.cmpi eq, %arg1, %scan3A_12 : i32
      %and3A = arith.andi %eq3A_0, %eq3A_14 : i1
      %convert_element_type3A_15 = arith.extui %and3A : i1 to i32
      %cond3A_16 = arith.constant 0 : i32
      %cond3A_17 = arith.cmpi ne, %convert_element_type3A_15, %cond3A_16 : i32
      scf.if %cond3A_17 {
        %scan3A_23 = arith.constant 0 : i32
        %scan3A_24 = arith.constant 0 : i32
        %scan3A_25 = arith.constant 320 : i32
        %scan3A_26 = arith.addi %scan3A_24, %scan3A_25 : i32
        %scan3A_27 = arith.constant 1 : i32
        %scan3A_28 = scf.for %scan3A_32 = %scan3A_24 to %scan3A_26 step %scan3A_27 iter_args(%scan3A_33 = %scan3A_23) -> (i32)  : i32 {
          %get3A = arith.index_cast %scan3A_32 : i32 to index
          %get3A_34 = tpu.vector_load %arg18[%get3A] {strides = array<i32>} : memref<336xf32, #tpu.memory_space<vmem>>, vector<16xf32>,
          %get3A_35 = vector.shape_cast %get3A_34 : vector<16xf32> to vector<16xf32>
          %slice3A = vector.extract_strided_slice %get3A_35 {offsets = [0], sizes = [1], strides = [1]} : vector<16xf32> to vector<1xf32>
          %squeeze3A = vector.extract %slice3A[0] : f32 from vector<1xf32>
          %gt3A_36 = arith.constant 0.000000e+00 : f32
          %gt3A_37 = arith.cmpf ogt, %squeeze3A, %gt3A_36 : f32
          %convert_element_type3A_38 = arith.extui %gt3A_37 : i1 to i32
          %cond3A_39 = arith.constant 0 : i32
          %cond3A_40 = arith.cmpi ne, %convert_element_type3A_38, %cond3A_39 : i32
          scf.if %cond3A_40 {
            %add3A = arith.addi %mul3A_1, %scan3A_32 : i32
            %jit3A = arith.constant 16 : i32
            %div3A = arith.divsi %scan3A_32, %jit3A : i32
            %sign3A = arith.constant 0 : i32
            %sign3A_42 = arith.cmpi sgt, %scan3A_32, %sign3A : i32
            %sign3A_43 = arith.extui %sign3A_42 : i1 to i32
            %sign3A_44 = arith.constant 0 : i32
            %sign3A_45 = arith.cmpi slt, %scan3A_32, %sign3A_44 : i32
            %sign3A_46 = arith.extui %sign3A_45 : i1 to i32
            %sign3A_47 = arith.subi %sign3A_43, %sign3A_46 : i32
            %sign3A_48 = arith.constant 0 : i32
            %sign3A_49 = arith.cmpi sgt, %jit3A, %sign3A_48 : i32
            %sign3A_50 = arith.extui %sign3A_49 : i1 to i32
            %sign3A_51 = arith.constant 0 : i32
            %sign3A_52 = arith.cmpi slt, %jit3A, %sign3A_51 : i32
            %sign3A_53 = arith.extui %sign3A_52 : i1 to i32
            %sign3A_54 = arith.subi %sign3A_50, %sign3A_53 : i32
            %ne3A = arith.cmpi ne, %sign3A_47, %sign3A_54 : i32
            %rem3A = arith.remsi %scan3A_32, %jit3A : i32
            %ne3A_55 = arith.constant 0 : i32
            %ne3A_56 = arith.cmpi ne, %rem3A, %ne3A_55 : i32
            %and3A_57 = arith.andi %ne3A, %ne3A_56 : i1
            %sub3A = arith.constant 1 : i32
            %sub3A_58 = arith.subi %div3A, %sub3A : i32
            %select_n3A = arith.select %and3A_57, %sub3A_58, %div3A : i32
            %get3A_59 = arith.index_cast %add3A : i32 to index
            %get3A_60 = tpu.vector_load %arg13[%get3A_59] {strides = array<i32>} : memref<5136xf32, #tpu.memory_space<vmem>>, vector<16xf32>,
            %get3A_61 = vector.shape_cast %get3A_60 : vector<16xf32> to vector<16xf32>
            %slice3A_62 = vector.extract_strided_slice %get3A_61 {offsets = [0], sizes = [1], strides = [1]} : vector<16xf32> to vector<1xf32>
            %squeeze3A_63 = vector.extract %slice3A_62[0] : f32 from vector<1xf32>
            %get3A_64 = arith.index_cast %add3A : i32 to index
            %get3A_65 = tpu.vector_load %arg14[%get3A_64] {strides = array<i32>} : memref<5136xf32, #tpu.memory_space<vmem>>, vector<16xf32>,
            %get3A_66 = vector.shape_cast %get3A_65 : vector<16xf32> to vector<16xf32>
            %slice3A_67 = vector.extract_strided_slice %get3A_66 {offsets = [0], sizes = [1], strides = [1]} : vector<16xf32> to vector<1xf32>
            %squeeze3A_68 = vector.extract %slice3A_67[0] : f32 from vector<1xf32>
            %get3A_69 = arith.index_cast %add3A : i32 to index
            %get3A_70 = tpu.vector_load %arg15[%get3A_69] {strides = array<i32>} : memref<5136xf32, #tpu.memory_space<vmem>>, vector<16xf32>,
            %get3A_71 = vector.shape_cast %get3A_70 : vector<16xf32> to vector<16xf32>
            %slice3A_72 = vector.extract_strided_slice %get3A_71 {offsets = [0], sizes = [1], strides = [1]} : vector<16xf32> to vector<1xf32>
            %squeeze3A_73 = vector.extract %slice3A_72[0] : f32 from vector<1xf32>
            %get3A_74 = arith.index_cast %add3A : i32 to index
            %get3A_75 = tpu.vector_load %arg16[%get3A_74] {strides = array<i32>} : memref<5136xf32, #tpu.memory_space<vmem>>, vector<16xf32>,
            %get3A_76 = vector.shape_cast %get3A_75 : vector<16xf32> to vector<16xf32>
            %slice3A_77 = vector.extract_strided_slice %get3A_76 {offsets = [0], sizes = [1], strides = [1]} : vector<16xf32> to vector<1xf32>
            %squeeze3A_78 = vector.extract %slice3A_77[0] : f32 from vector<1xf32>
            %get3A_79 = arith.index_cast %add3A : i32 to index
            %get3A_80 = tpu.vector_load %arg17[%get3A_79] {strides = array<i32>} : memref<5136xf32, #tpu.memory_space<vmem>>, vector<16xf32>,
            %get3A_81 = vector.shape_cast %get3A_80 : vector<16xf32> to vector<16xf32>
            %slice3A_82 = vector.extract_strided_slice %get3A_81 {offsets = [0], sizes = [1], strides = [1]} : vector<16xf32> to vector<1xf32>
            %squeeze3A_83 = vector.extract %slice3A_82[0] : f32 from vector<1xf32>
            %while3A = arith.constant 20 : i32
            %while3A_84 = arith.constant 0 : i32
            %while3A_85 = arith.subi %while3A, %select_n3A : i32
            %while3A_86 = arith.addi %select_n3A, %while3A_85 : i32
            %while3A_87 = arith.constant 1 : i32
            %while3A_88 = arith.divsi %while3A_85, %while3A_87 : i32
            %while3A_89 = arith.muli %while3A_88, %while3A_87 : i32
            %while3A_90 = arith.addi %select_n3A, %while3A_89 : i32
            %while3A_91 = arith.constant 1 : i32
            %while3A_92 = scf.for %while3A_95 = %select_n3A to %while3A_90 step %while3A_91 iter_args(%while3A_96 = %while3A_84) -> (i32)  : i32 {
              %mul3A_97 = arith.constant 16 : i32
              %mul3A_98 = arith.muli %while3A_95, %mul3A_97 : i32
              %add3A_99 = arith.addi %mul3A_1, %mul3A_98 : i32
              %get3A_100 = arith.index_cast %add3A_99 : i32 to index
              %get3A_101 = tpu.vector_load %arg13[%get3A_100] {strides = array<i32>} : memref<5136xf32, #tpu.memory_space<vmem>>, vector<16xf32>,
              %get3A_102 = vector.shape_cast %get3A_101 : vector<16xf32> to vector<16xf32>
              %add3A_103 = arith.addi %mul3A_1, %mul3A_98 : i32
              %get3A_104 = arith.index_cast %add3A_103 : i32 to index
              %get3A_105 = tpu.vector_load %arg14[%get3A_104] {strides = array<i32>} : memref<5136xf32, #tpu.memory_space<vmem>>, vector<16xf32>,
              %get3A_106 = vector.shape_cast %get3A_105 : vector<16xf32> to vector<16xf32>
              %add3A_107 = arith.addi %mul3A_1, %mul3A_98 : i32
              %get3A_108 = arith.index_cast %add3A_107 : i32 to index
              %get3A_109 = tpu.vector_load %arg15[%get3A_108] {strides = array<i32>} : memref<5136xf32, #tpu.memory_space<vmem>>, vector<16xf32>,
              %get3A_110 = vector.shape_cast %get3A_109 : vector<16xf32> to vector<16xf32>
              %add3A_111 = arith.addi %mul3A_1, %mul3A_98 : i32
              %get3A_112 = arith.index_cast %add3A_111 : i32 to index
              %get3A_113 = tpu.vector_load %arg16[%get3A_112] {strides = array<i32>} : memref<5136xf32, #tpu.memory_space<vmem>>, vector<16xf32>,
              %get3A_114 = vector.shape_cast %get3A_113 : vector<16xf32> to vector<16xf32>
              %add3A_115 = arith.addi %mul3A_1, %mul3A_98 : i32
              %get3A_116 = arith.index_cast %add3A_115 : i32 to index
              %get3A_117 = tpu.vector_load %arg17[%get3A_116] {strides = array<i32>} : memref<5136xf32, #tpu.memory_space<vmem>>, vector<16xf32>,
              %get3A_118 = vector.shape_cast %get3A_117 : vector<16xf32> to vector<16xf32>
              %max3A = vector.broadcast %squeeze3A_63 : f32 to vector<16xf32>
              %max3A_119 = arith.maximumf %get3A_102, %max3A : vector<16xf32>
              %max3A_120 = vector.broadcast %squeeze3A_68 : f32 to vector<16xf32>
              %max3A_121 = arith.maximumf %get3A_106, %max3A_120 : vector<16xf32>
              %min3A = vector.broadcast %squeeze3A_73 : f32 to vector<16xf32>
              %min3A_122 = arith.minimumf %get3A_110, %min3A : vector<16xf32>
              %min3A_123 = vector.broadcast %squeeze3A_78 : f32 to vector<16xf32>
              %min3A_124 = arith.minimumf %get3A_114, %min3A_123 : vector<16xf32>
              %sub3A_125 = arith.subf %min3A_122, %max3A_119 : vector<16xf32>
              %max3A_126 = arith.constant 0.000000e+00 : f32
              %max3A_127 = vector.broadcast %max3A_126 : f32 to vector<16xf32>
              %max3A_128 = arith.maximumf %sub3A_125, %max3A_127 : vector<16xf32>
              %sub3A_129 = arith.subf %min3A_124, %max3A_121 : vector<16xf32>
              %max3A_130 = arith.constant 0.000000e+00 : f32
              %max3A_131 = vector.broadcast %max3A_130 : f32 to vector<16xf32>
              %max3A_132 = arith.maximumf %sub3A_129, %max3A_131 : vector<16xf32>
              %mul3A_133 = arith.mulf %max3A_128, %max3A_132 : vector<16xf32>
              %add3A_134 = vector.broadcast %squeeze3A_83 : f32 to vector<16xf32>
              %add3A_135 = arith.addf %add3A_134, %get3A_118 : vector<16xf32>
              %sub3A_136 = arith.subf %add3A_135, %mul3A_133 : vector<16xf32>
              %add3A_137 = arith.constant 9.99999971E-10 : f32
              %add3A_138 = vector.broadcast %add3A_137 : f32 to vector<16xf32>
              %add3A_139 = arith.addf %sub3A_136, %add3A_138 : vector<16xf32>
              %div3A_140 = arith.divf %mul3A_133, %add3A_139 : vector<16xf32>
              %gt3A_141 = arith.constant 5.000000e-01 : f32
              %gt3A_142 = vector.broadcast %gt3A_141 : f32 to vector<16xf32>
              %gt3A_143 = arith.cmpf ogt, %div3A_140, %gt3A_142 : vector<16xf32>
              %add3A_144 = arith.addi %mul3A_1, %mul3A_98 : i32
              %add3A_145 = vector.broadcast %add3A_144 : i32 to vector<16xi32>
              %add3A_146 = arith.addi %add3A_145, %iota3A : vector<16xi32>
              %gt3A_147 = vector.broadcast %add3A : i32 to vector<16xi32>
              %gt3A_148 = arith.cmpi sgt, %add3A_146, %gt3A_147 : vector<16xi32>
              %and3A_149 = arith.andi %gt3A_143, %gt3A_148 : vector<16xi1>
              %get3A_150 = arith.index_cast %mul3A_98 : i32 to index
              %get3A_151 = tpu.vector_load %arg18[%get3A_150] {strides = array<i32>} : memref<336xf32, #tpu.memory_space<vmem>>, vector<16xf32>,
              %get3A_152 = vector.shape_cast %get3A_151 : vector<16xf32> to vector<16xf32>
              %jit3A_153 = arith.constant 0.000000e+00 : f32
              %broadcast_in_dim3A = vector.broadcast %jit3A_153 : f32 to vector<16xf32>
              %select_n3A_154 = arith.select %and3A_149, %broadcast_in_dim3A, %get3A_152 : vector<16xi1>, vector<16xf32>
              %swap3A = arith.index_cast %mul3A_98 : i32 to index
              %swap3A_155 = tpu.vector_load %arg18[%swap3A] {strides = array<i32>} : memref<336xf32, #tpu.memory_space<vmem>>, vector<16xf32>,
              %swap3A_156 = vector.shape_cast %swap3A_155 : vector<16xf32> to vector<16xf32>
              %swap3A_157 = vector.shape_cast %select_n3A_154 : vector<16xf32> to vector<16xf32>
              tpu.vector_store %arg18[%swap3A], %swap3A_157 {strides = array<i32>} : memref<336xf32, #tpu.memory_space<vmem>>, vector<16xf32>,
              %while3A_158 = arith.constant 0 : i32
              scf.yield %while3A_158 : i32
            }
            %while3A_93 = arith.constant 1 : i32
            %while3A_94 = scf.for %while3A_95 = %while3A_90 to %while3A_86 step %while3A_93 iter_args(%while3A_96 = %while3A_92) -> (i32)  : i32 {
              %mul3A_97 = arith.constant 16 : i32
              %mul3A_98 = arith.muli %while3A_95, %mul3A_97 : i32
              %add3A_99 = arith.addi %mul3A_1, %mul3A_98 : i32
              %get3A_100 = arith.index_cast %add3A_99 : i32 to index
              %get3A_101 = tpu.vector_load %arg13[%get3A_100] {strides = array<i32>} : memref<5136xf32, #tpu.memory_space<vmem>>, vector<16xf32>,
              %get3A_102 = vector.shape_cast %get3A_101 : vector<16xf32> to vector<16xf32>
              %add3A_103 = arith.addi %mul3A_1, %mul3A_98 : i32
              %get3A_104 = arith.index_cast %add3A_103 : i32 to index
              %get3A_105 = tpu.vector_load %arg14[%get3A_104] {strides = array<i32>} : memref<5136xf32, #tpu.memory_space<vmem>>, vector<16xf32>,
              %get3A_106 = vector.shape_cast %get3A_105 : vector<16xf32> to vector<16xf32>
              %add3A_107 = arith.addi %mul3A_1, %mul3A_98 : i32
              %get3A_108 = arith.index_cast %add3A_107 : i32 to index
              %get3A_109 = tpu.vector_load %arg15[%get3A_108] {strides = array<i32>} : memref<5136xf32, #tpu.memory_space<vmem>>, vector<16xf32>,
              %get3A_110 = vector.shape_cast %get3A_109 : vector<16xf32> to vector<16xf32>
              %add3A_111 = arith.addi %mul3A_1, %mul3A_98 : i32
              %get3A_112 = arith.index_cast %add3A_111 : i32 to index
              %get3A_113 = tpu.vector_load %arg16[%get3A_112] {strides = array<i32>} : memref<5136xf32, #tpu.memory_space<vmem>>, vector<16xf32>,
              %get3A_114 = vector.shape_cast %get3A_113 : vector<16xf32> to vector<16xf32>
              %add3A_115 = arith.addi %mul3A_1, %mul3A_98 : i32
              %get3A_116 = arith.index_cast %add3A_115 : i32 to index
              %get3A_117 = tpu.vector_load %arg17[%get3A_116] {strides = array<i32>} : memref<5136xf32, #tpu.memory_space<vmem>>, vector<16xf32>,
              %get3A_118 = vector.shape_cast %get3A_117 : vector<16xf32> to vector<16xf32>
              %max3A = vector.broadcast %squeeze3A_63 : f32 to vector<16xf32>
              %max3A_119 = arith.maximumf %get3A_102, %max3A : vector<16xf32>
              %max3A_120 = vector.broadcast %squeeze3A_68 : f32 to vector<16xf32>
              %max3A_121 = arith.maximumf %get3A_106, %max3A_120 : vector<16xf32>
              %min3A = vector.broadcast %squeeze3A_73 : f32 to vector<16xf32>
              %min3A_122 = arith.minimumf %get3A_110, %min3A : vector<16xf32>
              %min3A_123 = vector.broadcast %squeeze3A_78 : f32 to vector<16xf32>
              %min3A_124 = arith.minimumf %get3A_114, %min3A_123 : vector<16xf32>
              %sub3A_125 = arith.subf %min3A_122, %max3A_119 : vector<16xf32>
              %max3A_126 = arith.constant 0.000000e+00 : f32
              %max3A_127 = vector.broadcast %max3A_126 : f32 to vector<16xf32>
              %max3A_128 = arith.maximumf %sub3A_125, %max3A_127 : vector<16xf32>
              %sub3A_129 = arith.subf %min3A_124, %max3A_121 : vector<16xf32>
              %max3A_130 = arith.constant 0.000000e+00 : f32
              %max3A_131 = vector.broadcast %max3A_130 : f32 to vector<16xf32>
              %max3A_132 = arith.maximumf %sub3A_129, %max3A_131 : vector<16xf32>
              %mul3A_133 = arith.mulf %max3A_128, %max3A_132 : vector<16xf32>
              %add3A_134 = vector.broadcast %squeeze3A_83 : f32 to vector<16xf32>
              %add3A_135 = arith.addf %add3A_134, %get3A_118 : vector<16xf32>
              %sub3A_136 = arith.subf %add3A_135, %mul3A_133 : vector<16xf32>
              %add3A_137 = arith.constant 9.99999971E-10 : f32
              %add3A_138 = vector.broadcast %add3A_137 : f32 to vector<16xf32>
              %add3A_139 = arith.addf %sub3A_136, %add3A_138 : vector<16xf32>
              %div3A_140 = arith.divf %mul3A_133, %add3A_139 : vector<16xf32>
              %gt3A_141 = arith.constant 5.000000e-01 : f32
              %gt3A_142 = vector.broadcast %gt3A_141 : f32 to vector<16xf32>
              %gt3A_143 = arith.cmpf ogt, %div3A_140, %gt3A_142 : vector<16xf32>
              %add3A_144 = arith.addi %mul3A_1, %mul3A_98 : i32
              %add3A_145 = vector.broadcast %add3A_144 : i32 to vector<16xi32>
              %add3A_146 = arith.addi %add3A_145, %iota3A : vector<16xi32>
              %gt3A_147 = vector.broadcast %add3A : i32 to vector<16xi32>
              %gt3A_148 = arith.cmpi sgt, %add3A_146, %gt3A_147 : vector<16xi32>
              %and3A_149 = arith.andi %gt3A_143, %gt3A_148 : vector<16xi1>
              %get3A_150 = arith.index_cast %mul3A_98 : i32 to index
              %get3A_151 = tpu.vector_load %arg18[%get3A_150] {strides = array<i32>} : memref<336xf32, #tpu.memory_space<vmem>>, vector<16xf32>,
              %get3A_152 = vector.shape_cast %get3A_151 : vector<16xf32> to vector<16xf32>
              %jit3A_153 = arith.constant 0.000000e+00 : f32
              %broadcast_in_dim3A = vector.broadcast %jit3A_153 : f32 to vector<16xf32>
              %select_n3A_154 = arith.select %and3A_149, %broadcast_in_dim3A, %get3A_152 : vector<16xi1>, vector<16xf32>
              %swap3A = arith.index_cast %mul3A_98 : i32 to index
              %swap3A_155 = tpu.vector_load %arg18[%swap3A] {strides = array<i32>} : memref<336xf32, #tpu.memory_space<vmem>>, vector<16xf32>,
              %swap3A_156 = vector.shape_cast %swap3A_155 : vector<16xf32> to vector<16xf32>
              %swap3A_157 = vector.shape_cast %select_n3A_154 : vector<16xf32> to vector<16xf32>
              tpu.vector_store %arg18[%swap3A], %swap3A_157 {strides = array<i32>} : memref<336xf32, #tpu.memory_space<vmem>>, vector<16xf32>,
              %while3A_158 = arith.constant 0 : i32
              scf.yield %while3A_158 : i32
            }
          } else {
          }
          %scan3A_41 = arith.constant 0 : i32
          scf.yield %scan3A_41 : i32
        }
        %scan3A_29 = arith.constant 320 : i32
        %mul3A_30 = arith.constant 320 : i32
        %mul3A_31 = arith.muli %arg1, %mul3A_30 : i32
        "tpu.region"() ({
          %run_scoped3A = tpu.sem_alloc : memref<!tpu.dma_semaphore, #tpu.memory_space<semaphore_mem>>
          %dma_start3A = arith.constant 0 : i32
          %dma_start3A_32 = tpu.memref_slice %arg18[%dma_start3A] : memref<336xf32, #tpu.memory_space<vmem>> -> memref<320xf32, #tpu.memory_space<vmem>>
          %dma_start3A_33 = tpu.memref_slice %arg22[%mul3A_31] : memref<5120xf32, #tpu.memory_space<hbm>> -> memref<320xf32, #tpu.memory_space<hbm>>
          %dma_start3A_34 = tpu.memref_slice %arg22[%mul3A_31] : memref<5120xf32, #tpu.memory_space<hbm>> -> memref<320xf32, #tpu.memory_space<hbm>>
          %dma_start3A_35 = arith.constant 0 : i32
          %dma_start3A_36 = tpu.memref_slice %arg18[%dma_start3A_35] : memref<336xf32, #tpu.memory_space<vmem>> -> memref<320xf32, #tpu.memory_space<vmem>>
          tpu.enqueue_dma source(%dma_start3A_36 : memref<320xf32, #tpu.memory_space<vmem>>) target(%dma_start3A_34 : memref<320xf32, #tpu.memory_space<hbm>>) target_semaphore(%run_scoped3A : memref<!tpu.dma_semaphore, #tpu.memory_space<semaphore_mem>>)
          %dma_wait3A = arith.constant 0 : i32
          %dma_wait3A_37 = tpu.memref_slice %arg18[%dma_wait3A] : memref<336xf32, #tpu.memory_space<vmem>> -> memref<320xf32, #tpu.memory_space<vmem>>
          %dma_wait3A_38 = tpu.memref_slice %arg22[%mul3A_31] : memref<5120xf32, #tpu.memory_space<hbm>> -> memref<320xf32, #tpu.memory_space<hbm>>
          %dma_wait3A_39 = tpu.memref_slice %arg22[%mul3A_31] : memref<5120xf32, #tpu.memory_space<hbm>> -> memref<320xf32, #tpu.memory_space<hbm>>
          %dma_wait3A_40 = arith.constant 0 : i32
          %dma_wait3A_41 = tpu.memref_slice %arg18[%dma_wait3A_40] : memref<336xf32, #tpu.memory_space<vmem>> -> memref<320xf32, #tpu.memory_space<vmem>>
          tpu.wait_dma2 semaphore(%run_scoped3A : memref<!tpu.dma_semaphore, #tpu.memory_space<semaphore_mem>>) src(%dma_wait3A_41 : memref<320xf32, #tpu.memory_space<vmem>>) dst(%dma_wait3A_39 : memref<320xf32, #tpu.memory_space<hbm>>)
          tpu.yield
        }) : () -> ()
      } else {
      }
      %barrier3A = arith.constant 0 : index
      tpu.barrier barrier_id(%barrier3A)
      %gt3A = arith.cmpi sgt, %arg1, %scan3A_12 : i32
      %and3A_18 = arith.andi %eq3A_0, %gt3A : i1
      %convert_element_type3A_19 = arith.extui %and3A_18 : i1 to i32
      %cond3A_20 = arith.constant 0 : i32
      %cond3A_21 = arith.cmpi ne, %convert_element_type3A_19, %cond3A_20 : i32
      scf.if %cond3A_21 {
        %mul3A_23 = arith.constant 320 : i32
        %mul3A_24 = arith.muli %scan3A_12, %mul3A_23 : i32
        "tpu.region"() ({
          %run_scoped3A = tpu.sem_alloc : memref<!tpu.dma_semaphore, #tpu.memory_space<semaphore_mem>>
          %dma_start3A = arith.constant 0 : i32
          %dma_start3A_32 = tpu.memref_slice %arg19[%dma_start3A] : memref<336xf32, #tpu.memory_space<vmem>> -> memref<320xf32, #tpu.memory_space<vmem>>
          %dma_start3A_33 = tpu.memref_slice %arg22[%mul3A_24] : memref<5120xf32, #tpu.memory_space<hbm>> -> memref<320xf32, #tpu.memory_space<hbm>>
          %dma_start3A_34 = arith.constant 0 : i32
          %dma_start3A_35 = tpu.memref_slice %arg19[%dma_start3A_34] : memref<336xf32, #tpu.memory_space<vmem>> -> memref<320xf32, #tpu.memory_space<vmem>>
          %dma_start3A_36 = tpu.memref_slice %arg22[%mul3A_24] : memref<5120xf32, #tpu.memory_space<hbm>> -> memref<320xf32, #tpu.memory_space<hbm>>
          tpu.enqueue_dma source(%dma_start3A_36 : memref<320xf32, #tpu.memory_space<hbm>>) target(%dma_start3A_35 : memref<320xf32, #tpu.memory_space<vmem>>) target_semaphore(%run_scoped3A : memref<!tpu.dma_semaphore, #tpu.memory_space<semaphore_mem>>)
          %dma_wait3A = arith.constant 0 : i32
          %dma_wait3A_37 = tpu.memref_slice %arg19[%dma_wait3A] : memref<336xf32, #tpu.memory_space<vmem>> -> memref<320xf32, #tpu.memory_space<vmem>>
          %dma_wait3A_38 = tpu.memref_slice %arg22[%mul3A_24] : memref<5120xf32, #tpu.memory_space<hbm>> -> memref<320xf32, #tpu.memory_space<hbm>>
          %dma_wait3A_39 = arith.constant 0 : i32
          %dma_wait3A_40 = tpu.memref_slice %arg19[%dma_wait3A_39] : memref<336xf32, #tpu.memory_space<vmem>> -> memref<320xf32, #tpu.memory_space<vmem>>
          %dma_wait3A_41 = tpu.memref_slice %arg22[%mul3A_24] : memref<5120xf32, #tpu.memory_space<hbm>> -> memref<320xf32, #tpu.memory_space<hbm>>
          tpu.wait_dma2 semaphore(%run_scoped3A : memref<!tpu.dma_semaphore, #tpu.memory_space<semaphore_mem>>) src(%dma_wait3A_41 : memref<320xf32, #tpu.memory_space<hbm>>) dst(%dma_wait3A_40 : memref<320xf32, #tpu.memory_space<vmem>>)
          tpu.yield
        }) : () -> ()
        %scan3A_25 = arith.constant 0 : i32
        %scan3A_26 = arith.constant 0 : i32
        %scan3A_27 = arith.constant 320 : i32
        %scan3A_28 = arith.addi %scan3A_26, %scan3A_27 : i32
        %scan3A_29 = arith.constant 1 : i32
        %scan3A_30 = scf.for %scan3A_32 = %scan3A_26 to %scan3A_28 step %scan3A_29 iter_args(%scan3A_33 = %scan3A_25) -> (i32)  : i32 {
          %get3A = arith.index_cast %scan3A_32 : i32 to index
          %get3A_34 = tpu.vector_load %arg19[%get3A] {strides = array<i32>} : memref<336xf32, #tpu.memory_space<vmem>>, vector<16xf32>,
          %get3A_35 = vector.shape_cast %get3A_34 : vector<16xf32> to vector<16xf32>
          %slice3A = vector.extract_strided_slice %get3A_35 {offsets = [0], sizes = [1], strides = [1]} : vector<16xf32> to vector<1xf32>
          %squeeze3A = vector.extract %slice3A[0] : f32 from vector<1xf32>
          %gt3A_36 = arith.constant 0.000000e+00 : f32
          %gt3A_37 = arith.cmpf ogt, %squeeze3A, %gt3A_36 : f32
          %convert_element_type3A_38 = arith.extui %gt3A_37 : i1 to i32
          %cond3A_39 = arith.constant 0 : i32
          %cond3A_40 = arith.cmpi ne, %convert_element_type3A_38, %cond3A_39 : i32
          scf.if %cond3A_40 {
            %mul3A_42 = arith.constant 320 : i32
            %mul3A_43 = arith.muli %scan3A_12, %mul3A_42 : i32
            %add3A = arith.addi %mul3A_43, %scan3A_32 : i32
            %get3A_44 = arith.index_cast %add3A : i32 to index
            %get3A_45 = tpu.vector_load %arg13[%get3A_44] {strides = array<i32>} : memref<5136xf32, #tpu.memory_space<vmem>>, vector<16xf32>,
            %get3A_46 = vector.shape_cast %get3A_45 : vector<16xf32> to vector<16xf32>
            %slice3A_47 = vector.extract_strided_slice %get3A_46 {offsets = [0], sizes = [1], strides = [1]} : vector<16xf32> to vector<1xf32>
            %squeeze3A_48 = vector.extract %slice3A_47[0] : f32 from vector<1xf32>
            %get3A_49 = arith.index_cast %add3A : i32 to index
            %get3A_50 = tpu.vector_load %arg14[%get3A_49] {strides = array<i32>} : memref<5136xf32, #tpu.memory_space<vmem>>, vector<16xf32>,
            %get3A_51 = vector.shape_cast %get3A_50 : vector<16xf32> to vector<16xf32>
            %slice3A_52 = vector.extract_strided_slice %get3A_51 {offsets = [0], sizes = [1], strides = [1]} : vector<16xf32> to vector<1xf32>
            %squeeze3A_53 = vector.extract %slice3A_52[0] : f32 from vector<1xf32>
            %get3A_54 = arith.index_cast %add3A : i32 to index
            %get3A_55 = tpu.vector_load %arg15[%get3A_54] {strides = array<i32>} : memref<5136xf32, #tpu.memory_space<vmem>>, vector<16xf32>,
            %get3A_56 = vector.shape_cast %get3A_55 : vector<16xf32> to vector<16xf32>
            %slice3A_57 = vector.extract_strided_slice %get3A_56 {offsets = [0], sizes = [1], strides = [1]} : vector<16xf32> to vector<1xf32>
            %squeeze3A_58 = vector.extract %slice3A_57[0] : f32 from vector<1xf32>
            %get3A_59 = arith.index_cast %add3A : i32 to index
            %get3A_60 = tpu.vector_load %arg16[%get3A_59] {strides = array<i32>} : memref<5136xf32, #tpu.memory_space<vmem>>, vector<16xf32>,
            %get3A_61 = vector.shape_cast %get3A_60 : vector<16xf32> to vector<16xf32>
            %slice3A_62 = vector.extract_strided_slice %get3A_61 {offsets = [0], sizes = [1], strides = [1]} : vector<16xf32> to vector<1xf32>
            %squeeze3A_63 = vector.extract %slice3A_62[0] : f32 from vector<1xf32>
            %get3A_64 = arith.index_cast %add3A : i32 to index
            %get3A_65 = tpu.vector_load %arg17[%get3A_64] {strides = array<i32>} : memref<5136xf32, #tpu.memory_space<vmem>>, vector<16xf32>,
            %get3A_66 = vector.shape_cast %get3A_65 : vector<16xf32> to vector<16xf32>
            %slice3A_67 = vector.extract_strided_slice %get3A_66 {offsets = [0], sizes = [1], strides = [1]} : vector<16xf32> to vector<1xf32>
            %squeeze3A_68 = vector.extract %slice3A_67[0] : f32 from vector<1xf32>
            %scan3A_69 = arith.constant 0 : i32
            %scan3A_70 = arith.constant 0 : i32
            %scan3A_71 = arith.constant 20 : i32
            %scan3A_72 = arith.addi %scan3A_70, %scan3A_71 : i32
            %scan3A_73 = arith.constant 1 : i32
            %scan3A_74 = scf.for %scan3A_76 = %scan3A_70 to %scan3A_72 step %scan3A_73 iter_args(%scan3A_77 = %scan3A_69) -> (i32)  : i32 {
              %mul3A_78 = arith.constant 16 : i32
              %mul3A_79 = arith.muli %scan3A_76, %mul3A_78 : i32
              %add3A_80 = arith.addi %mul3A_1, %mul3A_79 : i32
              %get3A_81 = arith.index_cast %add3A_80 : i32 to index
              %get3A_82 = tpu.vector_load %arg13[%get3A_81] {strides = array<i32>} : memref<5136xf32, #tpu.memory_space<vmem>>, vector<16xf32>,
              %get3A_83 = vector.shape_cast %get3A_82 : vector<16xf32> to vector<16xf32>
              %add3A_84 = arith.addi %mul3A_1, %mul3A_79 : i32
              %get3A_85 = arith.index_cast %add3A_84 : i32 to index
              %get3A_86 = tpu.vector_load %arg14[%get3A_85] {strides = array<i32>} : memref<5136xf32, #tpu.memory_space<vmem>>, vector<16xf32>,
              %get3A_87 = vector.shape_cast %get3A_86 : vector<16xf32> to vector<16xf32>
              %add3A_88 = arith.addi %mul3A_1, %mul3A_79 : i32
              %get3A_89 = arith.index_cast %add3A_88 : i32 to index
              %get3A_90 = tpu.vector_load %arg15[%get3A_89] {strides = array<i32>} : memref<5136xf32, #tpu.memory_space<vmem>>, vector<16xf32>,
              %get3A_91 = vector.shape_cast %get3A_90 : vector<16xf32> to vector<16xf32>
              %add3A_92 = arith.addi %mul3A_1, %mul3A_79 : i32
              %get3A_93 = arith.index_cast %add3A_92 : i32 to index
              %get3A_94 = tpu.vector_load %arg16[%get3A_93] {strides = array<i32>} : memref<5136xf32, #tpu.memory_space<vmem>>, vector<16xf32>,
              %get3A_95 = vector.shape_cast %get3A_94 : vector<16xf32> to vector<16xf32>
              %add3A_96 = arith.addi %mul3A_1, %mul3A_79 : i32
              %get3A_97 = arith.index_cast %add3A_96 : i32 to index
              %get3A_98 = tpu.vector_load %arg17[%get3A_97] {strides = array<i32>} : memref<5136xf32, #tpu.memory_space<vmem>>, vector<16xf32>,
              %get3A_99 = vector.shape_cast %get3A_98 : vector<16xf32> to vector<16xf32>
              %max3A = vector.broadcast %squeeze3A_48 : f32 to vector<16xf32>
              %max3A_100 = arith.maximumf %get3A_83, %max3A : vector<16xf32>
              %max3A_101 = vector.broadcast %squeeze3A_53 : f32 to vector<16xf32>
              %max3A_102 = arith.maximumf %get3A_87, %max3A_101 : vector<16xf32>
              %min3A = vector.broadcast %squeeze3A_58 : f32 to vector<16xf32>
              %min3A_103 = arith.minimumf %get3A_91, %min3A : vector<16xf32>
              %min3A_104 = vector.broadcast %squeeze3A_63 : f32 to vector<16xf32>
              %min3A_105 = arith.minimumf %get3A_95, %min3A_104 : vector<16xf32>
              %sub3A = arith.subf %min3A_103, %max3A_100 : vector<16xf32>
              %max3A_106 = arith.constant 0.000000e+00 : f32
              %max3A_107 = vector.broadcast %max3A_106 : f32 to vector<16xf32>
              %max3A_108 = arith.maximumf %sub3A, %max3A_107 : vector<16xf32>
              %sub3A_109 = arith.subf %min3A_105, %max3A_102 : vector<16xf32>
              %max3A_110 = arith.constant 0.000000e+00 : f32
              %max3A_111 = vector.broadcast %max3A_110 : f32 to vector<16xf32>
              %max3A_112 = arith.maximumf %sub3A_109, %max3A_111 : vector<16xf32>
              %mul3A_113 = arith.mulf %max3A_108, %max3A_112 : vector<16xf32>
              %add3A_114 = vector.broadcast %squeeze3A_68 : f32 to vector<16xf32>
              %add3A_115 = arith.addf %add3A_114, %get3A_99 : vector<16xf32>
              %sub3A_116 = arith.subf %add3A_115, %mul3A_113 : vector<16xf32>
              %add3A_117 = arith.constant 9.99999971E-10 : f32
              %add3A_118 = vector.broadcast %add3A_117 : f32 to vector<16xf32>
              %add3A_119 = arith.addf %sub3A_116, %add3A_118 : vector<16xf32>
              %div3A = arith.divf %mul3A_113, %add3A_119 : vector<16xf32>
              %gt3A_120 = arith.constant 5.000000e-01 : f32
              %gt3A_121 = vector.broadcast %gt3A_120 : f32 to vector<16xf32>
              %gt3A_122 = arith.cmpf ogt, %div3A, %gt3A_121 : vector<16xf32>
              %add3A_123 = arith.addi %mul3A_1, %mul3A_79 : i32
              %add3A_124 = vector.broadcast %add3A_123 : i32 to vector<16xi32>
              %add3A_125 = arith.addi %add3A_124, %iota3A : vector<16xi32>
              %gt3A_126 = vector.broadcast %add3A : i32 to vector<16xi32>
              %gt3A_127 = arith.cmpi sgt, %add3A_125, %gt3A_126 : vector<16xi32>
              %and3A_128 = arith.andi %gt3A_122, %gt3A_127 : vector<16xi1>
              %get3A_129 = arith.index_cast %mul3A_79 : i32 to index
              %get3A_130 = tpu.vector_load %arg18[%get3A_129] {strides = array<i32>} : memref<336xf32, #tpu.memory_space<vmem>>, vector<16xf32>,
              %get3A_131 = vector.shape_cast %get3A_130 : vector<16xf32> to vector<16xf32>
              %jit3A = arith.constant 0.000000e+00 : f32
              %broadcast_in_dim3A = vector.broadcast %jit3A : f32 to vector<16xf32>
              %select_n3A = arith.select %and3A_128, %broadcast_in_dim3A, %get3A_131 : vector<16xi1>, vector<16xf32>
              %swap3A = arith.index_cast %mul3A_79 : i32 to index
              %swap3A_132 = tpu.vector_load %arg18[%swap3A] {strides = array<i32>} : memref<336xf32, #tpu.memory_space<vmem>>, vector<16xf32>,
              %swap3A_133 = vector.shape_cast %swap3A_132 : vector<16xf32> to vector<16xf32>
              %swap3A_134 = vector.shape_cast %select_n3A : vector<16xf32> to vector<16xf32>
              tpu.vector_store %arg18[%swap3A], %swap3A_134 {strides = array<i32>} : memref<336xf32, #tpu.memory_space<vmem>>, vector<16xf32>,
              %scan3A_135 = arith.constant 0 : i32
              scf.yield %scan3A_135 : i32
            }
            %scan3A_75 = arith.constant 20 : i32
          } else {
          }
          %scan3A_41 = arith.constant 0 : i32
          scf.yield %scan3A_41 : i32
        }
        %scan3A_31 = arith.constant 320 : i32
      } else {
      }
      %scan3A_22 = arith.constant 0 : i32
      scf.yield %scan3A_22 : i32
    }
    %scan3A_8 = arith.constant 16 : i32
    %convert_element_type3A_9 = arith.extui %eq3A_0 : i1 to i32
    %cond3A_10 = arith.constant 0 : i32
    %cond3A_11 = arith.cmpi ne, %convert_element_type3A_9, %cond3A_10 : i32
    scf.if %cond3A_11 {
      %scan3A_12 = arith.constant 0 : i32
      %scan3A_13 = arith.constant 0 : i32
      %scan3A_14 = arith.constant 20 : i32
      %scan3A_15 = arith.addi %scan3A_13, %scan3A_14 : i32
      %scan3A_16 = arith.constant 1 : i32
      %scan3A_17 = scf.for %scan3A_19 = %scan3A_13 to %scan3A_15 step %scan3A_16 iter_args(%scan3A_20 = %scan3A_12) -> (i32)  : i32 {
        %mul3A_21 = arith.constant 16 : i32
        %mul3A_22 = arith.muli %scan3A_19, %mul3A_21 : i32
        %get3A = arith.index_cast %mul3A_22 : i32 to index
        %get3A_23 = tpu.vector_load %arg20[%get3A] {strides = array<i32>} : memref<320xf32, #tpu.memory_space<vmem>>, vector<16xf32>,
        %get3A_24 = vector.shape_cast %get3A_23 : vector<16xf32> to vector<16xf32>
        %get3A_25 = arith.index_cast %mul3A_22 : i32 to index
        %get3A_26 = tpu.vector_load %arg18[%get3A_25] {strides = array<i32>} : memref<336xf32, #tpu.memory_space<vmem>>, vector<16xf32>,
        %get3A_27 = vector.shape_cast %get3A_26 : vector<16xf32> to vector<16xf32>
        %mul3A_28 = arith.mulf %get3A_24, %get3A_27 : vector<16xf32>
        %swap3A = arith.index_cast %mul3A_22 : i32 to index
        %swap3A_29 = tpu.vector_load %arg21[%swap3A] {strides = array<i32>} : memref<320xf32, #tpu.memory_space<vmem>>, vector<16xf32>,
        %swap3A_30 = vector.shape_cast %swap3A_29 : vector<16xf32> to vector<16xf32>
        %swap3A_31 = vector.shape_cast %mul3A_28 : vector<16xf32> to vector<16xf32>
        tpu.vector_store %arg21[%swap3A], %swap3A_31 {strides = array<i32>} : memref<320xf32, #tpu.memory_space<vmem>>, vector<16xf32>,
        %scan3A_32 = arith.constant 0 : i32
        scf.yield %scan3A_32 : i32
      }
      %scan3A_18 = arith.constant 20 : i32
      "tpu.region"() ({
        %run_scoped3A = tpu.sem_alloc : memref<!tpu.dma_semaphore, #tpu.memory_space<semaphore_mem>>
        %dma_start3A = tpu.memref_slice %arg7[%mul3A_1] : memref<5120xf32, #tpu.memory_space<hbm>> -> memref<320xf32, #tpu.memory_space<hbm>>
        %dma_start3A_19 = tpu.memref_slice %arg7[%mul3A_1] : memref<5120xf32, #tpu.memory_space<hbm>> -> memref<320xf32, #tpu.memory_space<hbm>>
        tpu.enqueue_dma source(%arg21 : memref<320xf32, #tpu.memory_space<vmem>>) target(%dma_start3A_19 : memref<320xf32, #tpu.memory_space<hbm>>) target_semaphore(%run_scoped3A : memref<!tpu.dma_semaphore, #tpu.memory_space<semaphore_mem>>)
        %dma_wait3A = tpu.memref_slice %arg7[%mul3A_1] : memref<5120xf32, #tpu.memory_space<hbm>> -> memref<320xf32, #tpu.memory_space<hbm>>
        %dma_wait3A_20 = tpu.memref_slice %arg7[%mul3A_1] : memref<5120xf32, #tpu.memory_space<hbm>> -> memref<320xf32, #tpu.memory_space<hbm>>
        tpu.wait_dma2 semaphore(%run_scoped3A : memref<!tpu.dma_semaphore, #tpu.memory_space<semaphore_mem>>) src(%arg21 : memref<320xf32, #tpu.memory_space<vmem>>) dst(%dma_wait3A_20 : memref<320xf32, #tpu.memory_space<hbm>>)
        tpu.yield
      }) : () -> ()
      "tpu.region"() ({
        %run_scoped3A = tpu.sem_alloc : memref<!tpu.dma_semaphore, #tpu.memory_space<semaphore_mem>>
        %dma_start3A = arith.constant 0 : i32
        %dma_start3A_19 = tpu.memref_slice %arg18[%dma_start3A] : memref<336xf32, #tpu.memory_space<vmem>> -> memref<320xf32, #tpu.memory_space<vmem>>
        %dma_start3A_20 = tpu.memref_slice %arg8[%mul3A_1] : memref<5120xf32, #tpu.memory_space<hbm>> -> memref<320xf32, #tpu.memory_space<hbm>>
        %dma_start3A_21 = tpu.memref_slice %arg8[%mul3A_1] : memref<5120xf32, #tpu.memory_space<hbm>> -> memref<320xf32, #tpu.memory_space<hbm>>
        %dma_start3A_22 = arith.constant 0 : i32
        %dma_start3A_23 = tpu.memref_slice %arg18[%dma_start3A_22] : memref<336xf32, #tpu.memory_space<vmem>> -> memref<320xf32, #tpu.memory_space<vmem>>
        tpu.enqueue_dma source(%dma_start3A_23 : memref<320xf32, #tpu.memory_space<vmem>>) target(%dma_start3A_21 : memref<320xf32, #tpu.memory_space<hbm>>) target_semaphore(%run_scoped3A : memref<!tpu.dma_semaphore, #tpu.memory_space<semaphore_mem>>)
        %dma_wait3A = arith.constant 0 : i32
        %dma_wait3A_24 = tpu.memref_slice %arg18[%dma_wait3A] : memref<336xf32, #tpu.memory_space<vmem>> -> memref<320xf32, #tpu.memory_space<vmem>>
        %dma_wait3A_25 = tpu.memref_slice %arg8[%mul3A_1] : memref<5120xf32, #tpu.memory_space<hbm>> -> memref<320xf32, #tpu.memory_space<hbm>>
        %dma_wait3A_26 = tpu.memref_slice %arg8[%mul3A_1] : memref<5120xf32, #tpu.memory_space<hbm>> -> memref<320xf32, #tpu.memory_space<hbm>>
        %dma_wait3A_27 = arith.constant 0 : i32
        %dma_wait3A_28 = tpu.memref_slice %arg18[%dma_wait3A_27] : memref<336xf32, #tpu.memory_space<vmem>> -> memref<320xf32, #tpu.memory_space<vmem>>
        tpu.wait_dma2 semaphore(%run_scoped3A : memref<!tpu.dma_semaphore, #tpu.memory_space<semaphore_mem>>) src(%dma_wait3A_28 : memref<320xf32, #tpu.memory_space<vmem>>) dst(%dma_wait3A_26 : memref<320xf32, #tpu.memory_space<hbm>>)
        tpu.yield
      }) : () -> ()
    } else {
    }
    return
  }
}

</mosaic_0001>

<sc_bundles>
// kernel: gather_offload_async_start.1
scs
__scs_entry_jumppad:
0x0: {  	(pc) =	sbr.rel $0x88, $3  }
0x1: {  	(tag) =	ssettag $0x0;
	lr =	simm.s32 $0x1  }
0x2: {  	[smem:$0x3F9F] =	sst lr;
	_ =	strace $0xD0000000  }
0x3: {  	_ = 	snop  }
0x4: {  	_ = 	snop  }
0x5: {  	_ = 	snop  }
0x6: {  	_ = 	snop  }
0x7: {  	_ = 	snop  }
__scs_overlays_trampoline_lowered:
0x8: {  	[smem:$0x3FAE] =	sst s0  }
0x9: {  	[smem:$0x3FAF] =	sst s1  }
0xa: {  	[smem:$0x3FB0] =	sst s2  }
0xb: {  	[smem:$0x3FB1] =	sst s3  }
0xc: {  	[smem:$0x3FB2] =	sst s4  }
0xd: {  	[smem:$0x3FB3] =	sst s5  }
0xe: {  	[smem:$0x3FB4] =	sst s6  }
0xf: {  	[smem:$0x3FB5] =	sst s7  }
0x10: {  	[smem:$0x3FB6] =	sst s8  }
0x11: {  	[smem:$0x3FB7] =	sst s9;
	s0 =	simm.s32 @!p0 $0x0  }
0x12: {  	s1 =	sld [smem:$0x3F9D];
	s0 =	simm.s32 @p0 $0x1  }
0x13: {  	[smem:$0x3FB8] =	sst s0;
	s0 =	simm.s32 @!p1 $0x0  }
0x14: {  	s2 =	sld [smem:$0x3F9C];
	s0 =	simm.s32 @p1 $0x1  }
0x15: {  	[smem:$0x3FB9] =	sst s0;
	s0 =	simm.s32 @!p2 $0x0  }
0x16: {  	s3 =	sld [smem:$0x3FDB];
	s0 =	simm.s32 @p2 $0x1  }
0x17: {  	s4 =	simm.s32 $0x1BF5;
	[smem:$0x3FBB] =	sst s0  }
0x18: {  	s0 =	sld [smem:$0x3F9E];
	_ =	swait.ge [sflag:s4], $0x0  }
0x19: {  	s7 =	sld [smem:$0x3F9F]  }
0x1a: {  	s8 =	sadd.s32 $0xFFFFE003, lr  }
0x1b: {  	s9 =	sadd.s32 $0xFFFFFEF7, lr;
	s5 =	simm.s32 $0xFFFFFFFF;
	p2 =	slt.u32 s8, $0xFFFFF086  }
0x1c: {  	p1 =	slt.u32 s9, $0xF7A;
	s5 =	simm.s32 @!p2 $0x0  }
0x1d: {  	s5 =	simm.s32 @p1 $0x1;
	p0 =	seq.s32 s7, s2  }
0x1e: {  	s7 =	smul.u32 @!p0 $0xF7A, s2;
	p2 =	seq.s32 @!p0 s5, $0x0  }
0x1f: {  	s9 =	smul.u32 $0xF7A, s1;
	s8 =	simm.s32 @!p0 $0x1BF5;
	p2 =	por !p2, p0  }
0x20: {  	[sflag:s8] =	ssyncset.s32 @!p0 $0xFFFFF086;
	s6 =	sadd.s32 @!p0 s3, s7;
	s7 =	simm.s32 @!p0 $0x108  }
0x21: {  	s3 =	sadd.s32 s3, s9;
	s6 =	sadd.s32 @!p0 $0x88, s6;
	s7 =	simm.s32 @p2 $0x1082  }
0x22: {  	[simem:s7], [sflag:s8] =	dma.local @!p0 [hbm:s6], $0xF7A  }
0x23: {  	s9 =	sor.u32 $0xD0000000, s2;
	s6 =	simm.s32 $0x108;
	_ =	swait.ge @!p0 [sflag:s8], $0x0  }
0x24: {  	s3 =	sadd.s32 $0x88, s3;
	s6 =	simm.s32 @!p1 $0x1082;
	[sflag:s4] =	ssyncset.s32 $0xFFFFF086  }
0x25: {  	[simem:s6], [sflag:s4] =	dma.local [hbm:s3], $0xF7A  }
0x26: {  	[smem:$0x3F9F] =	sst s1;
	(tag) =	ssettag s2;
	_ =	strace s9  }
0x27: {  	s1 =	sld [smem:$0x3FAF]  }
0x28: {  	s2 =	sld [smem:$0x3FB0]  }
0x29: {  	s4 =	sld [smem:$0x3FB2]  }
0x2a: {  	p0 =	seq.s32 s5, $0x0;
	s5 =	sld [smem:$0x3FB3]  }
0x2b: {  	s6 =	sld [smem:$0x3FB4]  }
0x2c: {  	s7 =	sld [smem:$0x3FB5]  }
0x2d: {  	s3 =	simm.s32 $0x108;
	s8 =	sld [smem:$0x3FB6]  }
0x2e: {  	s3 =	simm.s32 @!p0 $0x1082;
	s9 =	sld [smem:$0x3FB7]  }
0x2f: {  	lr =	sadd.s32 s0, s3;
	s0 =	sld [smem:$0x3FAE]  }
0x30: {  	s3 =	sld [smem:$0x3FB1]  }
0x31: {  	[smem:$0x3FBA] =	sst s10  }
0x32: {  	s10 =	sld [smem:$0x3FB8];
	_ =	sdelay $0x3  }
0x33: {  	p0 =	seq.s32 s10, $0x1;
	s10 =	sld [smem:$0x3FBA];
	_ =	sdelay $0x3  }
0x34: {  	[smem:$0x3FBA] =	sst s10  }
0x35: {  	s10 =	sld [smem:$0x3FB9];
	_ =	sdelay $0x3  }
0x36: {  	p1 =	seq.s32 s10, $0x1;
	s10 =	sld [smem:$0x3FBA];
	_ =	sdelay $0x3  }
0x37: {  	[smem:$0x3FBA] =	sst s10  }
0x38: {  	s10 =	sld [smem:$0x3FBB]  }
0x39: {  	_ = 	snop;
	(pc) =	sbr.ind lr, $3  }
0x3a: {  	_ = 	snop  }
0x3b: {  	_ = 	snop  }
0x3c: {  	p2 =	seq.s32 s10, $0x1;
	s10 =	sld [smem:$0x3FBA]  }
0x3d: {  	_ =	shalt  }
0x3e: {  	_ =	shalt  }
0x3f: {  	_ =	shalt  }
0x40: {  	_ =	shalt  }
0x41: {  	_ =	shalt  }
0x42: {  	_ =	shalt  }
0x43: {  	_ =	shalt  }
0x44: {  	_ =	shalt  }
0x45: {  	_ =	shalt  }
0x46: {  	_ =	shalt  }
0x47: {  	_ =	shalt  }
0x48: {  	_ =	shalt  }
0x49: {  	_ =	shalt  }
0x4a: {  	_ =	shalt  }
0x4b: {  	_ =	shalt  }
0x4c: {  	_ =	shalt  }
0x4d: {  	_ =	shalt  }
0x4e: {  	_ =	shalt  }
0x4f: {  	_ =	shalt  }
0x50: {  	_ =	shalt  }
0x51: {  	_ =	shalt  }
0x52: {  	_ =	shalt  }
0x53: {  	_ =	shalt  }
0x54: {  	_ =	shalt  }
0x55: {  	_ =	shalt  }
0x56: {  	_ =	shalt  }
0x57: {  	_ =	shalt  }
0x58: {  	_ =	shalt  }
0x59: {  	_ =	shalt  }
0x5a: {  	_ =	shalt  }
0x5b: {  	_ =	shalt  }
0x5c: {  	_ =	shalt  }
0x5d: {  	_ =	shalt  }
0x5e: {  	_ =	shalt  }
0x5f: {  	_ =	shalt  }
0x60: {  	_ =	shalt  }
0x61: {  	_ =	shalt  }
0x62: {  	_ =	shalt  }
0x63: {  	_ =	shalt  }
0x64: {  	_ =	shalt  }
0x65: {  	_ =	shalt  }
0x66: {  	_ =	shalt  }
0x67: {  	_ =	shalt  }
0x68: {  	_ =	shalt  }
0x69: {  	_ =	shalt  }
0x6a: {  	_ =	shalt  }
0x6b: {  	_ =	shalt  }
0x6c: {  	_ =	shalt  }
0x6d: {  	_ =	shalt  }
0x6e: {  	_ =	shalt  }
0x6f: {  	_ =	shalt  }
0x70: {  	_ =	shalt  }
0x71: {  	_ =	shalt  }
0x72: {  	_ =	shalt  }
0x73: {  	_ =	shalt  }
0x74: {  	_ =	shalt  }
0x75: {  	_ =	shalt  }
0x76: {  	_ =	shalt  }
0x77: {  	_ =	shalt  }
0x78: {  	_ =	shalt  }
0x79: {  	_ =	shalt  }
0x7a: {  	_ =	shalt  }
0x7b: {  	_ =	shalt  }
0x7c: {  	_ =	shalt  }
0x7d: {  	_ =	shalt  }
0x7e: {  	_ =	shalt  }
0x7f: {  	_ =	shalt  }
0x80: {  	_ =	shalt  }
0x81: {  	_ =	shalt  }
0x82: {  	_ =	shalt  }
0x83: {  	_ =	shalt  }
0x84: {  	_ =	shalt  }
0x85: {  	_ =	shalt  }
0x86: {  	_ =	shalt  }
0x87: {  	_ =	shalt  }
.Lfunc_end0:
.L_simem_size_0:
called_computation.1_lowered:
.L_overlay_start_0:
0x88: {  	s0 =	sld [smem:$0x3FD9]  }
0x89: {  	s1 =	sld [smem:$0x3FFE];
	_ =	sdelay $0x3  }
0x8a: {  	s0 =	sadd.s32 s1, s0  }
0x8b: {  	[smem:$0x3FC6] =	sst s0  }
0x8c: {  	_ = 	snop  }
0x8d: {  	s0 =	sld [smem:$0x3FD0];
	_ =	sdelay $0x2  }
0x8e: {  	s2 =	simm.s32 $0xB;
	s3 =	simm.s32 $0x10;
	s13 =	sld [smem:$0x3FC8]  }
0x8f: {  	[smem:s3], [sflag:s2] =	dma.local [hbm:s0], $0x1  }
0x90: {  	_ =	swait.eq [sflag:s2], $0x1  }
0x91: {  	[sflag:s2] =	ssyncset.done $0x0  }
0x92: {  	[sflag:s2] =	ssyncadd.s32 $0xFFFFFFFF  }
0x93: {  	s14 =	sld [smem:$0x10];
	(tm) =	ssettm $0x1  }
0x94: {  	s15 =	sld [smem:$0x3FFB];
	_ =	sdelay $0x3  }
0x95: {  	_ =	strace s15  }
0x96: {  	s2 =	sld [smem:$0x3FFC];
	_ =	sdelay $0x3  }
0x97: {  	_ =	strace s2  }
0x98: {  	s2 =	sld [smem:$0x3FFD];
	_ =	sdelay $0x3  }
0x99: {  	_ =	strace s2  }
0x9a: {  	_ =	strace $0x8FFFFFFF  }
0x9b: {  	s16 =	sld [smem:$0x3FDB];
	_ =	sdelay $0x1  }
0x9c: {  	s17 =	simm.s32 $_scs_section_size  }
0x9d: {  	s4 =	simm.s32 $_size__tile_overlayer_lowered;
	s5 =	simm.s32 $_tile_overlayer_lowered  }
0x9e: {  	s20 =	simm.s32 $0x1BFF;
	s19 =	sshll.u32 s5, $0x1;
	s2 =	sadd.s32 s17, s16  }
0x9f: {  	s6 =	simm.s32 $0x0;
	s18 =	sshll.u32 s4, $0x1;
	s4 =	sadd.s32 s19, s2  }
0xa0: {  	[timem:s6], [sflag:s20] =	dma.local [hbm:s4], s18  }
0xa1: {  	_ =	swait.ge [sflag:s20], s18  }
0xa2: {  	s3 =	ssub.s32 $0x0, s18;
	[sflag:s20] =	ssyncset.done $0x0  }
0xa3: {  	[sflag:s20] =	ssyncadd.s32 s3;
	_ =	sdelay $0x1  }
0xa4: {  	s21 =	simm.s32 $0x1B8B  }
0xa5: {  	_ =	swait.ge [sflag:s21], $0x1  }
0xa6: {  	[sflag:s21] =	ssyncset.done $0x0  }
0xa7: {  	s23 =	simm.s32 $0x1B8E;
	s22 =	sld [smem:$0x3FFE];
	[sflag:s21] =	ssyncadd.s32 $0xFFFFFFFF  }
0xa8: {  	s24 =	simm.s32 $execute0_lowered;
	[smem:$0x3FD2] =	sst s23  }
0xa9: {  	s4 =	sshll.u32 s24, $0x1;
	_ =	strace $0x80000046;
	[dreg:$0x1] =	wrdreg $0xFFFFFFFF  }
0xaa: {  	s25 =	simm.s32 $_size_execute0_lowered;
	s2 =	sadd.s32 s2, s4;
	[dreg:$0x0] =	wrdreg $0x0  }
0xab: {  	s4 =	sshll.u32 s25, $0x1;
	[dreg:$0x2] =	wrdreg s2  }
0xac: {  	[dreg:$0x3] =	wrdreg s4  }
0xad: {  	[dreg:$0x4] =	wrdreg $0xC0  }
0xae: {  	_ =	task [dreg:s6], $0x5FFFF  }
0xaf: {  	[dreg:$0x1] =	wrdreg $0xFFFFFFFF  }
0xb0: {  	[dreg:$0x0] =	wrdreg $0x60  }
0xb1: {  	[dreg:$0x2] =	wrdreg s13  }
0xb2: {  	[dreg:$0x3] =	wrdreg s14  }
0xb3: {  	[dreg:$0x4] =	wrdreg s22  }
0xb4: {  	[dreg:$0x5] =	wrdreg $0xA  }
0xb5: {  	_ =	task.clear_ibuf [dreg:s6], $0x6FFFF;
	_ =	strace $0x90000046  }
0xb6: {  	s26 =	simm.s32 $0xA;
	_ =	strace $0x80000048  }
0xb7: {  	_ =	swait.ge [sflag:s26], $0x1  }
0xb8: {  	[sflag:s26] =	ssyncadd.s32 $0xFFFFFFFF  }
0xb9: {  	_ =	strace $0x90000048  }
0xba: {  	_ =	sfence  }
0xbb: {  	s28 =	sld [smem:$0x0];
	_ =	sdelay $0x1  }
0xbc: {  	s29 =	srdreg.scid  }
0xbd: {  	s30 =	sshll.u32 s29, $0xD;
	s31 =	sshrl.u32 s29, $0x2  }
0xbe: {  	s1 =	sand.u32 $0x1, s29;
	s2 =	sand.u32 $0x4000, s30;
	s0 =	sadd.s32 s31, s28  }
0xbf: {  	s1 =	sor.u32 s2, s1;
	s0 =	sshll.u32 s0, $0x11  }
0xc0: {  	s0 =	sor.u32 s0, s1  }
0xc1: {  	s0 =	sadd.s32 $0x8F2B, s0  }
0xc2: {  	[sflag:s0] =	ssyncadd.remote.s32 $0x1  }
0xc3: {  	_ =	sfence.sel $0xFFFF  }
0xc4: {  	[dreg:$0x0] =	wrdreg $0xFFFFFFFF;
	(pc) =	sbr.abs _section_cstart, $3  }
0xc5: {  	[dreg:$0x1] =	wrdreg $0xFFFFFFFF  }
0xc6: {  	_ =	task.clear_ibuf [dreg:s6], $0x2FFFF;
	_ =	strace $0x9FFFFFFF  }
0xc7: {  	(tm) =	ssettm $0x7FFFFFFF  }
tec
execute0_lowered:
.L_overlay_start_1:
0x0: {  	(tag) =	ssettag $0x1  }
0x1: {  	s2 =	rddreg [dreg:$0x0]  }
0x2: {  	s3 =	rddreg [dreg:$0x1]  }
0x3: {  	s4 =	rddreg [dreg:$0x2];
	s1 =	stileid.u32  }
0x4: {  	s0 =	rddreg [dreg:$0x3];
	_ =	strace $0x80000047;
	s6 =	simm.s32 $0x1  }
0x5: {  	s8 =	simm.s32 $0x2;
	s30 =	simm.s32 $0x3;
	s5 =	sshll.u32 s1, $0x4  }
0x6: {  	s12 =	simm.s32 $0x0;
	s9 =	simm.s32 $0x0;
	s7 =	ssub.s32 $0x1380, s5  }
0x7: {  	s10 =	simm.s32 $0x0;
	[sflag:s6] =	ssyncpa.u1 $0x0;
	s6 =	sshrl.u32 s7, $0x8  }
0x8: {  	[sflag:s8] =	ssyncpa.u1 $0x0;
	s11 =	smov.u32 s5;
	s31 =	sshll.u32 s6, $0x4  }
0x9: {  	[sflag:s30] =	ssyncpa.u1 $0x0;
	s7 =	sadd.s32 $0x2, s6;
	s8 =	sadd.s32 $0x30, s31  }
.LBB2_1:
0xa: {  	p0 =	sgt.u32 s10, s6  }
0xb: {  	s13 =	sxor.u32 @!p0 $0xFFFFFFFF, s9;
	s14 =	sshrl.u32 @!p0 s11, $0x3  }
0xc: {  	s15 =	sand.u32 @!p0 $0x7, s11;
	s13 =	sand.u32 @!p0 $0x10, s13;
	s14 =	sadd.s32 @!p0 s3, s14  }
0xd: {  	[tilespmem:s13], [sflag:$0x2] =	stream.linear.gather @!p0 [hbm4b:s14+s15], $0x10, $0x38;
	[tilespmem:$0x40] =	vst v63  }
0xe: {  	p0 =	seq.s32 s9, $0x0  }
0xf: {  	p1 =	sge.u32 @!p0 s10, s7  }
0x10: {  	p0 =	por p1, p0  }
0x11: {  	s13 =	simm.s32 @!p0 $0x2  }
0x12: {  	_ =	swait.ge @!p0 [sflag:s13], $0x10  }
0x13: {  	[sflag:s13] =	ssyncset.done @!p0 $0x0  }
0x14: {  	[sflag:s13] =	ssyncadd.s32 @!p0 $0xFFFFFFF0;
	s13 =	sand.u32 @!p0 $0x10, s9  }
0x15: {  	(ifvalue) =	ssetifvalue @!p0 $0x7FFFFFFF;
	v0 =	vld.msk @!p0 [tilespmem:s13+$0x0 ss:$0x1], $0xffff;
	_ =	sdelay $0x4  }
0x16: {  	vm0 =	vgt.s32 @!p0 v0, $0x0  }
0x17: {  	v0 =	vnsel @!p0 vm0, $0x0, v0  }
0x18: {  	v0 =	vmin.u32 @!p0 v0, $0x1387;
	_ =	sdelay $0x3  }
0x19: {  	s14 =	simm.s32 @!p0 $0x0;
	s13 =	sor.u32 @!p0 $0x20, s13;
	(ifvalue) =	ssetifvalue @!p0 $0x7FFFFFFF;
	vm0 =	vmmov @!p0 $0xffff  }
0x1a: {  	[tilespmem:s13], [sflag:$0x1] =	stream.indirect_vreg.gather @!p0 [hbm4b:s2+s14], $0x1, v0, vm0, $0x4038;
	[tilespmem:$0x40] =	vst v63  }
0x1b: {  	s14 =	simm.s32 @!p0 $0x1  }
0x1c: {  	_ =	swait.ge @!p0 [sflag:s14], $0x10  }
0x1d: {  	s15 =	sshrl.u32 @!p0 s12, $0x3;
	[sflag:s14] =	ssyncset.done @!p0 $0x0  }
0x1e: {  	s12 =	sand.u32 @!p0 $0x7, s12;
	[sflag:s14] =	ssyncadd.s32 @!p0 $0xFFFFFFF0;
	s14 =	sadd.s32 @!p0 s4, s15  }
0x1f: {  	[hbm4b:s14+s12] =	stream.linear.scatter @!p0 [tilespmem:s13], [sflag:$0x3], $0x10, $0x38;
	[tilespmem:$0x40] =	vst v63  }
0x20: {  	s14 =	sadd.s32 $0x100, s11  }
0x21: {  	s9 =	sadd.s32 $0x10, s9;
	p1 =	sgt.s32 s14, $0x1387  }
0x22: {  	s14 =	smov.u32 @p1 s5;
	p1 =	sne.s32 s8, s9  }
.Ltmp0:
0x23: {  	p0 =	slt.u32 s10, $0x2;
	(pc) =	sbr.rel @p1 .LBB2_1-.Ltmp0, $4  }
0x24: {  	s13 =	simm.s32 @!p0 $0x3  }
0x25: {  	_ =	swait.ge @!p0 [sflag:s13], $0x10  }
0x26: {  	s12 =	smov.u32 s11;
	[sflag:s13] =	ssyncset.done @!p0 $0x0  }
0x27: {  	s10 =	sadd.s32 $0x1, s10;
	s11 =	smov.u32 s14;
	[sflag:s13] =	ssyncadd.s32 @!p0 $0xFFFFFFF0  }
0x28: {  	_ =	sfence.sel $0x180000  }
0x29: {  	s2 =	simm.s32 $0x2;
	[bflag:$0x0] =	sbarrier.arrive $0xFFFF  }
0x2a: {  	s30 =	simm.s32 $0x3;
	[sflag:s2] =	ssyncpa.u1 $0x1  }
0x2b: {  	s31 =	simm.s32 $0x1;
	[sflag:s30] =	ssyncpa.u1 $0x1  }
0x2c: {  	[sflag:s31] =	ssyncpa.u1 $0x1  }
0x2d: {  	p0 =	sne.s32 s1, $0x0;
	_ =	strace $0x90000047  }
0x2e: {  	s0 =	sadd.s32 @!p0 $0x100000, s0;
	[bflag:$0x2] =	sbarrier.arrive $0xFFFF  }
0x2f: {  	[sflag:s0] =	ssyncadd.tile.s32 @!p0 $0x1;
	_ =	shalt  }
.Lfunc_end2:
_tile_overlayer_lowered:
.L_overlay_start_2:
0x30: {  	(tag) =	ssettag $0x2  }
0x31: {  	s0 =	rddreg [dreg:$0x0];
	s2 =	stileid.u32  }
0x32: {  	s1 =	rddreg [dreg:$0x1];
	p0 =	sne.s32 s2, $0x0  }
0x33: {  	s3 =	rddreg [dreg:$0x2];
	[bflag:$0x3] =	sbarrier.arrive $0xFFFF;
	s2 =	simm.s32 @!p0 $0x1C01  }
0x34: {  	[timem:s3], [sflag:s2] =	dma.local @!p0 [hbm:s0], s1  }
0x35: {  	s0 =	simm.s32 @!p0 $0x1  }
0x36: {  	_ =	swait.ge @!p0 [sflag:s0], s1  }
0x37: {  	s1 =	ssub.s32 @!p0 $0x0, s1;
	[sflag:s0] =	ssyncset.done @!p0 $0x0  }
0x38: {  	[sflag:s0] =	ssyncadd.s32 @!p0 s1  }
0x39: {  	[bflag:$0x3] =	sbarrier.arrive $0xFFFF  }
0x3a: {  	_ =	shalt  }

// kernel: gather_offload_async_start
scs
__scs_entry_jumppad:
0x0: {  	(pc) =	sbr.rel $0x88, $3  }
0x1: {  	(tag) =	ssettag $0x0;
	lr =	simm.s32 $0x1  }
0x2: {  	[smem:$0x3F9F] =	sst lr;
	_ =	strace $0xD0000000  }
0x3: {  	_ = 	snop  }
0x4: {  	_ = 	snop  }
0x5: {  	_ = 	snop  }
0x6: {  	_ = 	snop  }
0x7: {  	_ = 	snop  }
__scs_overlays_trampoline_lowered:
0x8: {  	[smem:$0x3FAE] =	sst s0  }
0x9: {  	[smem:$0x3FAF] =	sst s1  }
0xa: {  	[smem:$0x3FB0] =	sst s2  }
0xb: {  	[smem:$0x3FB1] =	sst s3  }
0xc: {  	[smem:$0x3FB2] =	sst s4  }
0xd: {  	[smem:$0x3FB3] =	sst s5  }
0xe: {  	[smem:$0x3FB4] =	sst s6  }
0xf: {  	[smem:$0x3FB5] =	sst s7  }
0x10: {  	[smem:$0x3FB6] =	sst s8  }
0x11: {  	[smem:$0x3FB7] =	sst s9;
	s0 =	simm.s32 @!p0 $0x0  }
0x12: {  	s1 =	sld [smem:$0x3F9D];
	s0 =	simm.s32 @p0 $0x1  }
0x13: {  	[smem:$0x3FB8] =	sst s0;
	s0 =	simm.s32 @!p1 $0x0  }
0x14: {  	s2 =	sld [smem:$0x3F9C];
	s0 =	simm.s32 @p1 $0x1  }
0x15: {  	[smem:$0x3FB9] =	sst s0;
	s0 =	simm.s32 @!p2 $0x0  }
0x16: {  	s3 =	sld [smem:$0x3FDB];
	s0 =	simm.s32 @p2 $0x1  }
0x17: {  	s4 =	simm.s32 $0x1BF5;
	[smem:$0x3FBB] =	sst s0  }
0x18: {  	s0 =	sld [smem:$0x3F9E];
	_ =	swait.ge [sflag:s4], $0x0  }
0x19: {  	s7 =	sld [smem:$0x3F9F]  }
0x1a: {  	s8 =	sadd.s32 $0xFFFFE003, lr  }
0x1b: {  	s9 =	sadd.s32 $0xFFFFFEF7, lr;
	s5 =	simm.s32 $0xFFFFFFFF;
	p2 =	slt.u32 s8, $0xFFFFF086  }
0x1c: {  	p1 =	slt.u32 s9, $0xF7A;
	s5 =	simm.s32 @!p2 $0x0  }
0x1d: {  	s5 =	simm.s32 @p1 $0x1;
	p0 =	seq.s32 s7, s2  }
0x1e: {  	s7 =	smul.u32 @!p0 $0xF7A, s2;
	p2 =	seq.s32 @!p0 s5, $0x0  }
0x1f: {  	s9 =	smul.u32 $0xF7A, s1;
	s8 =	simm.s32 @!p0 $0x1BF5;
	p2 =	por !p2, p0  }
0x20: {  	[sflag:s8] =	ssyncset.s32 @!p0 $0xFFFFF086;
	s6 =	sadd.s32 @!p0 s3, s7;
	s7 =	simm.s32 @!p0 $0x108  }
0x21: {  	s3 =	sadd.s32 s3, s9;
	s6 =	sadd.s32 @!p0 $0x88, s6;
	s7 =	simm.s32 @p2 $0x1082  }
0x22: {  	[simem:s7], [sflag:s8] =	dma.local @!p0 [hbm:s6], $0xF7A  }
0x23: {  	s9 =	sor.u32 $0xD0000000, s2;
	s6 =	simm.s32 $0x108;
	_ =	swait.ge @!p0 [sflag:s8], $0x0  }
0x24: {  	s3 =	sadd.s32 $0x88, s3;
	s6 =	simm.s32 @!p1 $0x1082;
	[sflag:s4] =	ssyncset.s32 $0xFFFFF086  }
0x25: {  	[simem:s6], [sflag:s4] =	dma.local [hbm:s3], $0xF7A  }
0x26: {  	[smem:$0x3F9F] =	sst s1;
	(tag) =	ssettag s2;
	_ =	strace s9  }
0x27: {  	s1 =	sld [smem:$0x3FAF]  }
0x28: {  	s2 =	sld [smem:$0x3FB0]  }
0x29: {  	s4 =	sld [smem:$0x3FB2]  }
0x2a: {  	p0 =	seq.s32 s5, $0x0;
	s5 =	sld [smem:$0x3FB3]  }
0x2b: {  	s6 =	sld [smem:$0x3FB4]  }
0x2c: {  	s7 =	sld [smem:$0x3FB5]  }
0x2d: {  	s3 =	simm.s32 $0x108;
	s8 =	sld [smem:$0x3FB6]  }
0x2e: {  	s3 =	simm.s32 @!p0 $0x1082;
	s9 =	sld [smem:$0x3FB7]  }
0x2f: {  	lr =	sadd.s32 s0, s3;
	s0 =	sld [smem:$0x3FAE]  }
0x30: {  	s3 =	sld [smem:$0x3FB1]  }
0x31: {  	[smem:$0x3FBA] =	sst s10  }
0x32: {  	s10 =	sld [smem:$0x3FB8];
	_ =	sdelay $0x3  }
0x33: {  	p0 =	seq.s32 s10, $0x1;
	s10 =	sld [smem:$0x3FBA];
	_ =	sdelay $0x3  }
0x34: {  	[smem:$0x3FBA] =	sst s10  }
0x35: {  	s10 =	sld [smem:$0x3FB9];
	_ =	sdelay $0x3  }
0x36: {  	p1 =	seq.s32 s10, $0x1;
	s10 =	sld [smem:$0x3FBA];
	_ =	sdelay $0x3  }
0x37: {  	[smem:$0x3FBA] =	sst s10  }
0x38: {  	s10 =	sld [smem:$0x3FBB]  }
0x39: {  	_ = 	snop;
	(pc) =	sbr.ind lr, $3  }
0x3a: {  	_ = 	snop  }
0x3b: {  	_ = 	snop  }
0x3c: {  	p2 =	seq.s32 s10, $0x1;
	s10 =	sld [smem:$0x3FBA]  }
0x3d: {  	_ =	shalt  }
0x3e: {  	_ =	shalt  }
0x3f: {  	_ =	shalt  }
0x40: {  	_ =	shalt  }
0x41: {  	_ =	shalt  }
0x42: {  	_ =	shalt  }
0x43: {  	_ =	shalt  }
0x44: {  	_ =	shalt  }
0x45: {  	_ =	shalt  }
0x46: {  	_ =	shalt  }
0x47: {  	_ =	shalt  }
0x48: {  	_ =	shalt  }
0x49: {  	_ =	shalt  }
0x4a: {  	_ =	shalt  }
0x4b: {  	_ =	shalt  }
0x4c: {  	_ =	shalt  }
0x4d: {  	_ =	shalt  }
0x4e: {  	_ =	shalt  }
0x4f: {  	_ =	shalt  }
0x50: {  	_ =	shalt  }
0x51: {  	_ =	shalt  }
0x52: {  	_ =	shalt  }
0x53: {  	_ =	shalt  }
0x54: {  	_ =	shalt  }
0x55: {  	_ =	shalt  }
0x56: {  	_ =	shalt  }
0x57: {  	_ =	shalt  }
0x58: {  	_ =	shalt  }
0x59: {  	_ =	shalt  }
0x5a: {  	_ =	shalt  }
0x5b: {  	_ =	shalt  }
0x5c: {  	_ =	shalt  }
0x5d: {  	_ =	shalt  }
0x5e: {  	_ =	shalt  }
0x5f: {  	_ =	shalt  }
0x60: {  	_ =	shalt  }
0x61: {  	_ =	shalt  }
0x62: {  	_ =	shalt  }
0x63: {  	_ =	shalt  }
0x64: {  	_ =	shalt  }
0x65: {  	_ =	shalt  }
0x66: {  	_ =	shalt  }
0x67: {  	_ =	shalt  }
0x68: {  	_ =	shalt  }
0x69: {  	_ =	shalt  }
0x6a: {  	_ =	shalt  }
0x6b: {  	_ =	shalt  }
0x6c: {  	_ =	shalt  }
0x6d: {  	_ =	shalt  }
0x6e: {  	_ =	shalt  }
0x6f: {  	_ =	shalt  }
0x70: {  	_ =	shalt  }
0x71: {  	_ =	shalt  }
0x72: {  	_ =	shalt  }
0x73: {  	_ =	shalt  }
0x74: {  	_ =	shalt  }
0x75: {  	_ =	shalt  }
0x76: {  	_ =	shalt  }
0x77: {  	_ =	shalt  }
0x78: {  	_ =	shalt  }
0x79: {  	_ =	shalt  }
0x7a: {  	_ =	shalt  }
0x7b: {  	_ =	shalt  }
0x7c: {  	_ =	shalt  }
0x7d: {  	_ =	shalt  }
0x7e: {  	_ =	shalt  }
0x7f: {  	_ =	shalt  }
0x80: {  	_ =	shalt  }
0x81: {  	_ =	shalt  }
0x82: {  	_ =	shalt  }
0x83: {  	_ =	shalt  }
0x84: {  	_ =	shalt  }
0x85: {  	_ =	shalt  }
0x86: {  	_ =	shalt  }
0x87: {  	_ =	shalt  }
.Lfunc_end0:
.L_simem_size_0:
called_computation_lowered:
.L_overlay_start_0:
0x88: {  	s0 =	sld [smem:$0x3FD9]  }
0x89: {  	s1 =	sld [smem:$0x3FFE];
	_ =	sdelay $0x3  }
0x8a: {  	s0 =	sadd.s32 s1, s0  }
0x8b: {  	[smem:$0x3FC6] =	sst s0  }
0x8c: {  	_ = 	snop  }
0x8d: {  	s0 =	sld [smem:$0x3FD0];
	_ =	sdelay $0x2  }
0x8e: {  	s13 =	simm.s32 $0xB;
	s2 =	simm.s32 $0x10  }
0x8f: {  	[smem:s2], [sflag:s13] =	dma.local [hbm:s0], $0x1  }
0x90: {  	_ =	swait.eq [sflag:s13], $0x1  }
0x91: {  	[sflag:s13] =	ssyncset.done $0x0  }
0x92: {  	[sflag:s13] =	ssyncadd.s32 $0xFFFFFFFF  }
0x93: {  	s14 =	sld [smem:$0x10];
	(tm) =	ssettm $0x1  }
0x94: {  	s15 =	sld [smem:$0x3FFB];
	_ =	sdelay $0x3  }
0x95: {  	_ =	strace s15  }
0x96: {  	s1 =	sld [smem:$0x3FFC];
	_ =	sdelay $0x3  }
0x97: {  	_ =	strace s1  }
0x98: {  	s1 =	sld [smem:$0x3FFD];
	_ =	sdelay $0x3  }
0x99: {  	_ =	strace s1  }
0x9a: {  	_ =	strace $0x8FFFFFFF  }
0x9b: {  	s16 =	sld [smem:$0x3FDB];
	_ =	sdelay $0x1  }
0x9c: {  	s17 =	simm.s32 $_scs_section_size  }
0x9d: {  	s3 =	simm.s32 $_size__tile_overlayer_lowered;
	s4 =	simm.s32 $_tile_overlayer_lowered  }
0x9e: {  	s20 =	simm.s32 $0x1BFF;
	s19 =	sshll.u32 s4, $0x1;
	s1 =	sadd.s32 s17, s16  }
0x9f: {  	s5 =	simm.s32 $0x0;
	s18 =	sshll.u32 s3, $0x1;
	s3 =	sadd.s32 s19, s1  }
0xa0: {  	[timem:s5], [sflag:s20] =	dma.local [hbm:s3], s18  }
0xa1: {  	_ =	swait.ge [sflag:s20], s18  }
0xa2: {  	s2 =	ssub.s32 $0x0, s18;
	[sflag:s20] =	ssyncset.done $0x0  }
0xa3: {  	[sflag:s20] =	ssyncadd.s32 s2;
	_ =	sdelay $0x1  }
0xa4: {  	s21 =	simm.s32 $0x1B8B  }
0xa5: {  	_ =	swait.ge [sflag:s21], $0x1  }
0xa6: {  	[sflag:s21] =	ssyncset.done $0x0  }
0xa7: {  	s23 =	simm.s32 $0x1B8E;
	s22 =	sld [smem:$0x3FFE];
	[sflag:s21] =	ssyncadd.s32 $0xFFFFFFFF  }
0xa8: {  	s24 =	simm.s32 $execute0_lowered;
	[smem:$0x3FD2] =	sst s23  }
0xa9: {  	s3 =	sshll.u32 s24, $0x1;
	_ =	strace $0x80000049;
	[dreg:$0x1] =	wrdreg $0xFFFFFFFF  }
0xaa: {  	s25 =	simm.s32 $_size_execute0_lowered;
	s1 =	sadd.s32 s1, s3;
	[dreg:$0x0] =	wrdreg $0x0  }
0xab: {  	s3 =	sshll.u32 s25, $0x1;
	[dreg:$0x2] =	wrdreg s1  }
0xac: {  	[dreg:$0x3] =	wrdreg s3  }
0xad: {  	[dreg:$0x4] =	wrdreg $0xC0  }
0xae: {  	_ =	task [dreg:s5], $0x5FFFF  }
0xaf: {  	[dreg:$0x1] =	wrdreg $0xFFFFFFFF  }
0xb0: {  	[dreg:$0x0] =	wrdreg $0x60  }
0xb1: {  	[dreg:$0x2] =	wrdreg s22  }
0xb2: {  	[dreg:$0x3] =	wrdreg s14  }
0xb3: {  	[dreg:$0x4] =	wrdreg $0x9  }
0xb4: {  	_ =	task.clear_ibuf [dreg:s5], $0x5FFFF;
	_ =	strace $0x90000049  }
0xb5: {  	s26 =	simm.s32 $0x9;
	_ =	strace $0x8000004B  }
0xb6: {  	_ =	swait.ge [sflag:s26], $0x1  }
0xb7: {  	[sflag:s26] =	ssyncadd.s32 $0xFFFFFFFF  }
0xb8: {  	_ =	strace $0x9000004B  }
0xb9: {  	_ =	sfence  }
0xba: {  	s28 =	sld [smem:$0x0];
	_ =	sdelay $0x1  }
0xbb: {  	s29 =	srdreg.scid  }
0xbc: {  	s30 =	sshll.u32 s29, $0xD;
	s31 =	sshrl.u32 s29, $0x2  }
0xbd: {  	s2 =	sand.u32 $0x4000, s30;
	s1 =	sand.u32 $0x1, s29;
	s0 =	sadd.s32 s31, s28  }
0xbe: {  	s1 =	sor.u32 s2, s1;
	s0 =	sshll.u32 s0, $0x11  }
0xbf: {  	s0 =	sor.u32 s0, s1  }
0xc0: {  	s0 =	sadd.s32 $0x8F2B, s0  }
0xc1: {  	[sflag:s0] =	ssyncadd.remote.s32 $0x1  }
0xc2: {  	_ =	sfence.sel $0xFFFF  }
0xc3: {  	[dreg:$0x0] =	wrdreg $0xFFFFFFFF;
	(pc) =	sbr.abs _section_cstart, $3  }
0xc4: {  	[dreg:$0x1] =	wrdreg $0xFFFFFFFF  }
0xc5: {  	_ =	task.clear_ibuf [dreg:s5], $0x2FFFF;
	_ =	strace $0x9FFFFFFF  }
0xc6: {  	(tm) =	ssettm $0x7FFFFFFF  }
0xc7: {  	_ =	shalt  }
tec
execute0_lowered:
.L_overlay_start_1:
0x0: {  	(tag) =	ssettag $0x1  }
0x1: {  	s0 =	stileid.u32  }
0x2: {  	s1 =	smin.u32 s0, $0x9  }
0x3: {  	s1 =	sadd.s32 s0, s1  }
0x4: {  	s2 =	simm.s32 $0x190;
	p0 =	slt.u32 s0, $0x9;
	s1 =	smul.u32 $0xC8, s1  }
0x5: {  	s2 =	simm.s32 @!p0 $0xC8  }
0x6: {  	s2 =	sadd.s32 s2, s1  }
0x7: {  	s3 =	smin.u32 s2, $0x1388  }
0x8: {  	s7 =	ssub.s32 s3, s1  }
0x9: {  	p0 =	sgt.s32 s7, $0x0  }
0xa: {  	s7 =	simm.s32 @!p0 $0x0  }
0xb: {  	s31 =	sand.u32 $0xFFF8, s7  }
0xc: {  	s2 =	sshrl.u32 s31, $0x3  }
0xd: {  	s9 =	rddreg [dreg:$0x0];
	s2 =	smul.u32 $0x147B, s2  }
0xe: {  	s4 =	rddreg [dreg:$0x1];
	s6 =	simm.s32 $0x1  }
0xf: {  	s11 =	simm.s32 $0x3;
	s13 =	simm.s32 $0x0;
	s8 =	sshrl.u32 s2, $0x11  }
0x10: {  	s12 =	simm.s32 $0x0;
	s5 =	sadd.s32 $0x400, s9;
	s10 =	smul.u32 $0xC8, s8  }
.Ltmp0:
0x11: {  	s9 =	sadd.s32 $0x13E00, s9;
	s2 =	rddreg [dreg:$0x2];
	(pc) =	sbr.rel .LBB2_1-.Ltmp0, $4  }
0x12: {  	_ =	strace $0x8000004A;
	p0 =	sne.s32 s7, s10;
	s10 =	simm.s32 $0x1  }
0x13: {  	[sflag:s6] =	ssyncpa.u1 $0x0;
	s7 =	simm.s32 $0x2;
	s10 =	simm.s32 @!p0 $0x0  }
0x14: {  	[sflag:s7] =	ssyncpa.u1 $0x0;
	p0 =	por $0x0, $0x0;
	s8 =	sadd.s32 s8, s10  }
0x15: {  	vm0 =	vmmov $0xff;
	vm1 =	vcmask $0x3F20;
	[sflag:s11] =	ssyncpa.u1 $0x0;
	s11 =	smov.u32 s1;
	s10 =	sadd.s32 $0x1, s8  }
.LBB2_6:
0x16: {  	[hbm:s17] =	stream.linear.scatter [tilespmem:s14], [sflag:$0x3], $0x400, $0x38;
	[tilespmem:$0xC990] =	vst v63  }
.LBB2_7:
0x17: {  	s13 =	sadd.s32 $0xC8, s11  }
0x18: {  	s15 =	smov.u32 s1;
	p2 =	slt.s32 s13, s3  }
0x19: {  	s15 =	smov.u32 @p2 s13;
	p2 =	sne.s32 s12, s10  }
.Ltmp1:
0x1a: {  	p1 =	slt.u32 s12, $0x2;
	(pc) =	sbr.rel @!p2 .LBB2_8-.Ltmp1, $4  }
0x1b: {  	s14 =	simm.s32 @!p1 $0x3  }
0x1c: {  	s16 =	sadd.s32 $0x1, s12;
	_ =	swait.ge @!p1 [sflag:s14], $0x6400  }
0x1d: {  	p0 =	por !p0, !p0;
	s13 =	smov.u32 s11;
	[sflag:s14] =	ssyncset.done @!p1 $0x0  }
0x1e: {  	s12 =	smov.u32 s16;
	s11 =	smov.u32 s15;
	[sflag:s14] =	ssyncadd.s32 @!p1 $0xFFFF9C00  }
.LBB2_1:
0x1f: {  	p1 =	sge.u32 s12, s8  }
0x20: {  	s14 =	sxor.u32 @!p1 $0xFFFFFFFF, s12  }
0x21: {  	s14 =	sand.u32 @!p1 $0x1, s14  }
0x22: {  	s14 =	smul.u32 @!p1 $0x320, s14  }
0x23: {  	s31 =	sadd.s32 $0xFFFFFFFF, s12;
	s15 =	sshrl.u32 @!p1 s11, $0x3  }
0x24: {  	s16 =	sand.u32 @!p1 $0x7, s11;
	s15 =	sadd.s32 @!p1 s4, s15;
	s14 =	sshrl.u32 @!p1 s14, $0x2  }
0x25: {  	[tilespmem:s14], [sflag:$0x2] =	stream.linear.gather @!p1 [hbm4b:s15+s16], $0xC8, $0x38;
	[tilespmem:$0xC990] =	vst v63  }
0x26: {  	p1 =	sge.u32 s31, s8  }
.Ltmp2:
0x27: {  	_ = 	snop;
	(pc) =	sbr.rel @p1 .LBB2_7-.Ltmp2, $1  }
0x28: {  	_ =	sdelay $0x3  }
0x29: {  	s14 =	simm.s32 $0x1  }
0x2a: {  	s14 =	simm.s32 @!p0 $0x0  }
0x2b: {  	s15 =	smul.u32 $0x320, s14  }
0x2c: {  	_ =	swait.ge [sflag:s7], $0xC8  }
0x2d: {  	[sflag:s7] =	ssyncset.done $0x0;
	s16 =	sshrl.u32 s15, $0x2  }
0x2e: {  	[sflag:s7] =	ssyncadd.s32 $0xFFFFFF38;
	s15 =	sadd.s32 $0x0, s16  }
0x2f: {  	v0 =	vld.msk [tilespmem:s15+$0x0 ss:$0x1], $0xffff;
	_ =	sdelay $0x4  }
0x30: {  	vm2 =	vgt.s32 v0, $0x0  }
0x31: {  	v0 =	vnsel vm2, $0x0, v0  }
0x32: {  	v0 =	vmin.u32 v0, $0x1387  }
0x33: {  	v0 =	vshll.u32 v0, $0x4  }
0x34: {  	s14 =	smul.u32 $0x19000, s14  }
0x35: {  	s31 =	sand.u32 $0x1, s12  }
0x36: {  	s17 =	smul.u32 $0x320, s31;
	s14 =	sshrl.u32 s14, $0x2  }
0x37: {  	s19 =	smul.u32 $0x19000, s31;
	s14 =	sor.u32 $0x190, s14  }
0x38: {  	[tilespmem:s14], [sflag:$0x1] =	stream.indirect_vreg.gather [hbm:s5], $0x80, v0, vm0, $0x38;
	[tilespmem:$0xC990] =	vst v63  }
0x39: {  	s18 =	sshrl.u32 s17, $0x2;
	s20 =	sadd.s32 $0x10, s16;
	s15 =	sadd.s32 $0x400, s14  }
0x3a: {  	[tilespmem:s15], [sflag:$0x1] =	stream.indirect_vreg.gather [hbm:s5], $0x80, v0, vm1, $0x38;
	[tilespmem:$0xC990] =	vst v63  }
0x3b: {  	s17 =	sshrl.u32 s19, $0x2;
	s19 =	smov.u32 s14;
	v0 =	vld.msk [tilespmem:s20+$0x0 ss:$0x1], $0xffff;
	s20 =	simm.s32 $0x80  }
.LBB2_3:
0x3c: {  	p1 =	sne.s32 s20, $0x2C0;
	_ =	sdelay $0x4  }
0x3d: {  	vm2 =	vgt.s32 v0, $0x0  }
0x3e: {  	v0 =	vnsel vm2, $0x0, v0  }
0x3f: {  	v0 =	vmin.u32 v0, $0x1387  }
0x40: {  	v0 =	vshll.u32 v0, $0x4;
	_ =	sdelay $0x3  }
.Ltmp3:
0x41: {  	s21 =	sshra.s32 s20, $0x2;
	s19 =	sadd.s32 $0x800, s19;
	(pc) =	sbr.rel @p1 .LBB2_3-.Ltmp3, $4  }
0x42: {  	[tilespmem:s19], [sflag:$0x1] =	stream.indirect_vreg.gather [hbm:s5], $0x80, v0, vm0, $0x38;
	[tilespmem:$0xC990] =	vst v63  }
0x43: {  	s21 =	sadd.s32 s21, s16;
	s22 =	sadd.s32 $0x400, s19  }
0x44: {  	[tilespmem:s22], [sflag:$0x1] =	stream.indirect_vreg.gather [hbm:s5], $0x80, v0, vm1, $0x38;
	[tilespmem:$0xC990] =	vst v63  }
0x45: {  	s20 =	sadd.s32 $0x40, s20;
	v0 =	vld.msk [tilespmem:s21+$0x0 ss:$0x1], $0xffff  }
0x46: {  	_ =	sdelay $0x3  }
0x47: {  	vm2 =	vgt.s32 v0, $0x0  }
0x48: {  	v0 =	vnsel vm2, $0x0, v0  }
0x49: {  	v0 =	vmin.u32 v0, $0x1387  }
0x4a: {  	v0 =	vshll.u32 v0, $0x4;
	_ =	sdelay $0x3  }
0x4b: {  	s16 =	sadd.s32 $0x800, s19  }
0x4c: {  	[tilespmem:s16], [sflag:$0x1] =	stream.indirect_vreg.gather [hbm:s5], $0x80, v0, vm0, $0x38;
	[tilespmem:$0xC990] =	vst v63  }
0x4d: {  	s16 =	sadd.s32 $0x400, s16  }
0x4e: {  	[tilespmem:s16], [sflag:$0x1] =	stream.indirect_vreg.gather [hbm:s5], $0x80, v0, vm1, $0x38;
	[tilespmem:$0xC990] =	vst v63  }
0x4f: {  	v0 =	vld.msk [tilespmem:s18+$0xC0 ss:$0x1], $0xff;
	_ =	sdelay $0x4  }
0x50: {  	vm2 =	vgt.s32 v0, $0x0  }
0x51: {  	v0 =	vnsel vm2, $0x0, v0  }
0x52: {  	v0 =	vmin.u32 v0, $0x1387  }
0x53: {  	v0 =	vshll.u32 v0, $0x4;
	_ =	sdelay $0x3  }
0x54: {  	s31 =	sadd.s32 $0x6190, s17  }
0x55: {  	[tilespmem:s31], [sflag:$0x1] =	stream.indirect_vreg.gather [hbm:s5], $0x80, v0, vm0, $0x38;
	[tilespmem:$0xC990] =	vst v63  }
0x56: {  	s13 =	sshll.u32 s13, $0x4;
	_ =	swait.ge [sflag:s6], $0x6400  }
0x57: {  	s13 =	sadd.s32 s13, s9;
	[sflag:s6] =	ssyncset.done $0x0  }
0x58: {  	s17 =	sadd.s32 $0x0, s13;
	s16 =	simm.s32 $0x80;
	[sflag:s6] =	ssyncadd.s32 $0xFFFF9C00  }
.LBB2_5:
0x59: {  	[hbm:s17] =	stream.linear.scatter [tilespmem:s14], [sflag:$0x3], $0x400, $0x38;
	[tilespmem:$0xC990] =	vst v63  }
0x5a: {  	s17 =	smov.u32 s16;
	s14 =	smov.u32 s15;
	p1 =	sne.s32 s16, $0xC00  }
.Ltmp4:
0x5b: {  	s16 =	sadd.s32 $0x80, s16;
	(pc) =	sbr.rel @p1 .LBB2_5-.Ltmp4, $2  }
0x5c: {  	_ =	sdelay $0x2  }
0x5d: {  	s15 =	sadd.s32 $0x400, s15;
	s17 =	sadd.s32 s17, s13  }
.Ltmp5:
0x5e: {  	_ = 	snop;
	(pc) =	sbr.rel .LBB2_6-.Ltmp5, $1  }
0x5f: {  	_ =	sdelay $0x3  }
.LBB2_8:
0x60: {  	_ =	sfence.sel $0x180000  }
0x61: {  	s1 =	simm.s32 $0x2;
	[bflag:$0x0] =	sbarrier.arrive $0xFFFF  }
0x62: {  	s30 =	simm.s32 $0x3;
	[sflag:s1] =	ssyncpa.u1 $0x1  }
0x63: {  	s31 =	simm.s32 $0x1;
	[sflag:s30] =	ssyncpa.u1 $0x1  }
0x64: {  	[sflag:s31] =	ssyncpa.u1 $0x1  }
0x65: {  	p0 =	sne.s32 s0, $0x0;
	_ =	strace $0x9000004A  }
0x66: {  	s0 =	sadd.s32 @!p0 $0x100000, s2;
	[bflag:$0x2] =	sbarrier.arrive $0xFFFF  }
0x67: {  	[sflag:s0] =	ssyncadd.tile.s32 @!p0 $0x1;
	_ =	shalt  }
.Lfunc_end2:
_tile_overlayer_lowered:
.L_overlay_start_2:
0x68: {  	(tag) =	ssettag $0x2  }
0x69: {  	s0 =	rddreg [dreg:$0x0];
	s2 =	stileid.u32  }
0x6a: {  	s1 =	rddreg [dreg:$0x1];
	p0 =	sne.s32 s2, $0x0  }
0x6b: {  	s3 =	rddreg [dreg:$0x2];
	[bflag:$0x3] =	sbarrier.arrive $0xFFFF;
	s2 =	simm.s32 @!p0 $0x1C01  }
0x6c: {  	[timem:s3], [sflag:s2] =	dma.local @!p0 [hbm:s0], s1  }
0x6d: {  	s0 =	simm.s32 @!p0 $0x1  }
0x6e: {  	_ =	swait.ge @!p0 [sflag:s0], s1  }
0x6f: {  	s1 =	ssub.s32 @!p0 $0x0, s1;
	[sflag:s0] =	ssyncset.done @!p0 $0x0  }
0x70: {  	[sflag:s0] =	ssyncadd.s32 @!p0 s1  }
0x71: {  	[bflag:$0x3] =	sbarrier.arrive $0xFFFF  }
0x72: {  	_ =	shalt  }

// kernel: kernel.3.cloned.1.call-start
scs
__scs_entry_jumppad:
0x0: {  	(pc) =	sbr.rel $0x88, $3  }
0x1: {  	(tag) =	ssettag $0x0;
	lr =	simm.s32 $0x1  }
0x2: {  	[smem:$0x3F9F] =	sst lr;
	_ =	strace $0xD0000000  }
0x3: {  	_ = 	snop  }
0x4: {  	_ = 	snop  }
0x5: {  	_ = 	snop  }
0x6: {  	_ = 	snop  }
0x7: {  	_ = 	snop  }
__scs_overlays_trampoline_lowered:
0x8: {  	[smem:$0x3FAE] =	sst s0  }
0x9: {  	[smem:$0x3FAF] =	sst s1  }
0xa: {  	[smem:$0x3FB0] =	sst s2  }
0xb: {  	[smem:$0x3FB1] =	sst s3  }
0xc: {  	[smem:$0x3FB2] =	sst s4  }
0xd: {  	[smem:$0x3FB3] =	sst s5  }
0xe: {  	[smem:$0x3FB4] =	sst s6  }
0xf: {  	[smem:$0x3FB5] =	sst s7  }
0x10: {  	[smem:$0x3FB6] =	sst s8  }
0x11: {  	[smem:$0x3FB7] =	sst s9;
	s0 =	simm.s32 @!p0 $0x0  }
0x12: {  	s1 =	sld [smem:$0x3F9D];
	s0 =	simm.s32 @p0 $0x1  }
0x13: {  	[smem:$0x3FB8] =	sst s0;
	s0 =	simm.s32 @!p1 $0x0  }
0x14: {  	s2 =	sld [smem:$0x3F9C];
	s0 =	simm.s32 @p1 $0x1  }
0x15: {  	[smem:$0x3FB9] =	sst s0;
	s0 =	simm.s32 @!p2 $0x0  }
0x16: {  	s3 =	sld [smem:$0x3FDB];
	s0 =	simm.s32 @p2 $0x1  }
0x17: {  	s4 =	simm.s32 $0x1BF5;
	[smem:$0x3FBB] =	sst s0  }
0x18: {  	s0 =	sld [smem:$0x3F9E];
	_ =	swait.ge [sflag:s4], $0x0  }
0x19: {  	s7 =	sld [smem:$0x3F9F]  }
0x1a: {  	s8 =	sadd.s32 $0xFFFFE003, lr  }
0x1b: {  	s9 =	sadd.s32 $0xFFFFFEF7, lr;
	s5 =	simm.s32 $0xFFFFFFFF;
	p2 =	slt.u32 s8, $0xFFFFF086  }
0x1c: {  	p1 =	slt.u32 s9, $0xF7A;
	s5 =	simm.s32 @!p2 $0x0  }
0x1d: {  	s5 =	simm.s32 @p1 $0x1;
	p0 =	seq.s32 s7, s2  }
0x1e: {  	s7 =	smul.u32 @!p0 $0xF7A, s2;
	p2 =	seq.s32 @!p0 s5, $0x0  }
0x1f: {  	s9 =	smul.u32 $0xF7A, s1;
	s8 =	simm.s32 @!p0 $0x1BF5;
	p2 =	por !p2, p0  }
0x20: {  	[sflag:s8] =	ssyncset.s32 @!p0 $0xFFFFF086;
	s6 =	sadd.s32 @!p0 s3, s7;
	s7 =	simm.s32 @!p0 $0x108  }
0x21: {  	s3 =	sadd.s32 s3, s9;
	s6 =	sadd.s32 @!p0 $0x88, s6;
	s7 =	simm.s32 @p2 $0x1082  }
0x22: {  	[simem:s7], [sflag:s8] =	dma.local @!p0 [hbm:s6], $0xF7A  }
0x23: {  	s9 =	sor.u32 $0xD0000000, s2;
	s6 =	simm.s32 $0x108;
	_ =	swait.ge @!p0 [sflag:s8], $0x0  }
0x24: {  	s3 =	sadd.s32 $0x88, s3;
	s6 =	simm.s32 @!p1 $0x1082;
	[sflag:s4] =	ssyncset.s32 $0xFFFFF086  }
0x25: {  	[simem:s6], [sflag:s4] =	dma.local [hbm:s3], $0xF7A  }
0x26: {  	[smem:$0x3F9F] =	sst s1;
	(tag) =	ssettag s2;
	_ =	strace s9  }
0x27: {  	s1 =	sld [smem:$0x3FAF]  }
0x28: {  	s2 =	sld [smem:$0x3FB0]  }
0x29: {  	s4 =	sld [smem:$0x3FB2]  }
0x2a: {  	p0 =	seq.s32 s5, $0x0;
	s5 =	sld [smem:$0x3FB3]  }
0x2b: {  	s6 =	sld [smem:$0x3FB4]  }
0x2c: {  	s7 =	sld [smem:$0x3FB5]  }
0x2d: {  	s3 =	simm.s32 $0x108;
	s8 =	sld [smem:$0x3FB6]  }
0x2e: {  	s3 =	simm.s32 @!p0 $0x1082;
	s9 =	sld [smem:$0x3FB7]  }
0x2f: {  	lr =	sadd.s32 s0, s3;
	s0 =	sld [smem:$0x3FAE]  }
0x30: {  	s3 =	sld [smem:$0x3FB1]  }
0x31: {  	[smem:$0x3FBA] =	sst s10  }
0x32: {  	s10 =	sld [smem:$0x3FB8];
	_ =	sdelay $0x3  }
0x33: {  	p0 =	seq.s32 s10, $0x1;
	s10 =	sld [smem:$0x3FBA];
	_ =	sdelay $0x3  }
0x34: {  	[smem:$0x3FBA] =	sst s10  }
0x35: {  	s10 =	sld [smem:$0x3FB9];
	_ =	sdelay $0x3  }
0x36: {  	p1 =	seq.s32 s10, $0x1;
	s10 =	sld [smem:$0x3FBA];
	_ =	sdelay $0x3  }
0x37: {  	[smem:$0x3FBA] =	sst s10  }
0x38: {  	s10 =	sld [smem:$0x3FBB]  }
0x39: {  	_ = 	snop;
	(pc) =	sbr.ind lr, $3  }
0x3a: {  	_ = 	snop  }
0x3b: {  	_ = 	snop  }
0x3c: {  	p2 =	seq.s32 s10, $0x1;
	s10 =	sld [smem:$0x3FBA]  }
0x3d: {  	_ =	shalt  }
0x3e: {  	_ =	shalt  }
0x3f: {  	_ =	shalt  }
0x40: {  	_ =	shalt  }
0x41: {  	_ =	shalt  }
0x42: {  	_ =	shalt  }
0x43: {  	_ =	shalt  }
0x44: {  	_ =	shalt  }
0x45: {  	_ =	shalt  }
0x46: {  	_ =	shalt  }
0x47: {  	_ =	shalt  }
0x48: {  	_ =	shalt  }
0x49: {  	_ =	shalt  }
0x4a: {  	_ =	shalt  }
0x4b: {  	_ =	shalt  }
0x4c: {  	_ =	shalt  }
0x4d: {  	_ =	shalt  }
0x4e: {  	_ =	shalt  }
0x4f: {  	_ =	shalt  }
0x50: {  	_ =	shalt  }
0x51: {  	_ =	shalt  }
0x52: {  	_ =	shalt  }
0x53: {  	_ =	shalt  }
0x54: {  	_ =	shalt  }
0x55: {  	_ =	shalt  }
0x56: {  	_ =	shalt  }
0x57: {  	_ =	shalt  }
0x58: {  	_ =	shalt  }
0x59: {  	_ =	shalt  }
0x5a: {  	_ =	shalt  }
0x5b: {  	_ =	shalt  }
0x5c: {  	_ =	shalt  }
0x5d: {  	_ =	shalt  }
0x5e: {  	_ =	shalt  }
0x5f: {  	_ =	shalt  }
0x60: {  	_ =	shalt  }
0x61: {  	_ =	shalt  }
0x62: {  	_ =	shalt  }
0x63: {  	_ =	shalt  }
0x64: {  	_ =	shalt  }
0x65: {  	_ =	shalt  }
0x66: {  	_ =	shalt  }
0x67: {  	_ =	shalt  }
0x68: {  	_ =	shalt  }
0x69: {  	_ =	shalt  }
0x6a: {  	_ =	shalt  }
0x6b: {  	_ =	shalt  }
0x6c: {  	_ =	shalt  }
0x6d: {  	_ =	shalt  }
0x6e: {  	_ =	shalt  }
0x6f: {  	_ =	shalt  }
0x70: {  	_ =	shalt  }
0x71: {  	_ =	shalt  }
0x72: {  	_ =	shalt  }
0x73: {  	_ =	shalt  }
0x74: {  	_ =	shalt  }
0x75: {  	_ =	shalt  }
0x76: {  	_ =	shalt  }
0x77: {  	_ =	shalt  }
0x78: {  	_ =	shalt  }
0x79: {  	_ =	shalt  }
0x7a: {  	_ =	shalt  }
0x7b: {  	_ =	shalt  }
0x7c: {  	_ =	shalt  }
0x7d: {  	_ =	shalt  }
0x7e: {  	_ =	shalt  }
0x7f: {  	_ =	shalt  }
0x80: {  	_ =	shalt  }
0x81: {  	_ =	shalt  }
0x82: {  	_ =	shalt  }
0x83: {  	_ =	shalt  }
0x84: {  	_ =	shalt  }
0x85: {  	_ =	shalt  }
0x86: {  	_ =	shalt  }
0x87: {  	_ =	shalt  }
.Lfunc_end0:
.L_simem_size_0:
called_computation.2_lowered:
.L_overlay_start_0:
0x88: {  	s2 =	sld [smem:$0x3FD9]  }
0x89: {  	s3 =	sld [smem:$0x3FFE];
	_ =	sdelay $0x1  }
0x8a: {  	s1 =	srdreg.scid  }
0x8b: {  	s0 =	sand.u32 $0x1, s1  }
0x8c: {  	s15 =	sshll.u32 s0, $0xA;
	s2 =	sadd.s32 s3, s2  }
0x8d: {  	s3 =	sadd.s32 s2, s15  }
0x8e: {  	[smem:$0x3FC6] =	sst s3  }
0x8f: {  	_ = 	snop  }
0x90: {  	s3 =	sld [smem:$0x3FD0];
	_ =	sdelay $0x2  }
0x91: {  	s4 =	simm.s32 $0xB;
	s5 =	simm.s32 $0x10  }
0x92: {  	[smem:s5], [sflag:s4] =	dma.local [hbm:s3], $0x1  }
0x93: {  	_ =	swait.eq [sflag:s4], $0x1  }
0x94: {  	[sflag:s4] =	ssyncset.done $0x0  }
0x95: {  	[sflag:s4] =	ssyncadd.s32 $0xFFFFFFFF  }
0x96: {  	s16 =	sld [smem:$0x10];
	(tm) =	ssettm $0x1  }
0x97: {  	s17 =	sld [smem:$0x3FFB];
	_ =	sdelay $0x3  }
0x98: {  	_ =	strace s17  }
0x99: {  	s4 =	sld [smem:$0x3FFC];
	_ =	sdelay $0x3  }
0x9a: {  	_ =	strace s4  }
0x9b: {  	s4 =	sld [smem:$0x3FFD];
	_ =	sdelay $0x3  }
0x9c: {  	_ =	strace s4  }
0x9d: {  	_ =	strace $0x8FFFFFFF  }
0x9e: {  	s18 =	sld [smem:$0x3FDB];
	_ =	sdelay $0x1  }
0x9f: {  	s19 =	simm.s32 $_scs_section_size  }
0xa0: {  	s6 =	simm.s32 $_size__tile_overlayer_lowered;
	s7 =	simm.s32 $_tile_overlayer_lowered  }
0xa1: {  	s22 =	simm.s32 $0x1BFF;
	s21 =	sshll.u32 s7, $0x1;
	s4 =	sadd.s32 s19, s18  }
0xa2: {  	s8 =	simm.s32 $0x0;
	s20 =	sshll.u32 s6, $0x1;
	s6 =	sadd.s32 s21, s4  }
0xa3: {  	[timem:s8], [sflag:s22] =	dma.local [hbm:s6], s20  }
0xa4: {  	_ =	swait.ge [sflag:s22], s20  }
0xa5: {  	s5 =	ssub.s32 $0x0, s20;
	[sflag:s22] =	ssyncset.done $0x0  }
0xa6: {  	[sflag:s22] =	ssyncadd.s32 s5;
	_ =	sdelay $0x1  }
0xa7: {  	s23 =	simm.s32 $0x1B8B  }
0xa8: {  	_ =	swait.ge [sflag:s23], $0x1  }
0xa9: {  	[sflag:s23] =	ssyncset.done $0x0  }
0xaa: {  	s25 =	simm.s32 $0x1B8E;
	s24 =	sld [smem:$0x3FFE];
	[sflag:s23] =	ssyncadd.s32 $0xFFFFFFFF  }
0xab: {  	s26 =	simm.s32 $execute0_lowered;
	[smem:$0x3FD2] =	sst s25  }
0xac: {  	s6 =	sshll.u32 s26, $0x1;
	_ =	strace $0x8000004C;
	[dreg:$0x1] =	wrdreg $0xFFFFFFFF  }
0xad: {  	s28 =	simm.s32 $_size_execute0_lowered;
	s4 =	sadd.s32 s4, s6;
	[dreg:$0x0] =	wrdreg $0x0  }
0xae: {  	s6 =	sshll.u32 s28, $0x1;
	[dreg:$0x2] =	wrdreg s4  }
0xaf: {  	[dreg:$0x3] =	wrdreg s6  }
0xb0: {  	[dreg:$0x4] =	wrdreg $0xC0  }
0xb1: {  	_ =	task [dreg:s8], $0x5FFFF  }
0xb2: {  	[dreg:$0x1] =	wrdreg $0xFFFFFFFF  }
0xb3: {  	[dreg:$0x0] =	wrdreg $0x60  }
0xb4: {  	[dreg:$0x2] =	wrdreg s24  }
0xb5: {  	s2 =	sadd.s32 $0x800, s2;
	[dreg:$0x3] =	wrdreg s16  }
0xb6: {  	[dreg:$0x4] =	wrdreg s2  }
0xb7: {  	[dreg:$0x5] =	wrdreg $0x9  }
0xb8: {  	_ =	task.clear_ibuf [dreg:s8], $0x6FFFF;
	_ =	strace $0x9000004C  }
0xb9: {  	s29 =	simm.s32 $0x9;
	_ =	strace $0x8000004E  }
0xba: {  	_ =	swait.ge [sflag:s29], $0x1  }
0xbb: {  	[sflag:s29] =	ssyncadd.s32 $0xFFFFFFFF  }
0xbc: {  	_ =	strace $0x9000004E  }
0xbd: {  	_ =	sfence  }
0xbe: {  	s30 =	sld [smem:$0x0];
	_ =	sdelay $0x2  }
0xbf: {  	s31 =	sshll.u32 s1, $0xD;
	s1 =	sshrl.u32 s1, $0x2  }
0xc0: {  	s3 =	sand.u32 $0x4000, s31;
	s1 =	sadd.s32 s1, s30  }
0xc1: {  	s0 =	sor.u32 s3, s0;
	s1 =	sshll.u32 s1, $0x11  }
0xc2: {  	s0 =	sor.u32 s1, s0  }
0xc3: {  	s0 =	sadd.s32 $0x8F2B, s0  }
0xc4: {  	[sflag:s0] =	ssyncadd.remote.s32 $0x1  }
0xc5: {  	_ =	sfence.sel $0xFFFF  }
0xc6: {  	[dreg:$0x0] =	wrdreg $0xFFFFFFFF;
	(pc) =	sbr.abs _section_cstart, $3  }
0xc7: {  	[dreg:$0x1] =	wrdreg $0xFFFFFFFF  }
0xc8: {  	_ =	task.clear_ibuf [dreg:s8], $0x2FFFF;
	_ =	strace $0x9FFFFFFF  }
0xc9: {  	(tm) =	ssettm $0x7FFFFFFF  }
tec
execute0_lowered:
.L_overlay_start_1:
0x0: {  	(tag) =	ssettag $0x1  }
0x1: {  	s10 =	rddreg [dreg:$0x0]  }
0x2: {  	s0 =	rddreg [dreg:$0x1]  }
0x3: {  	s3 =	rddreg [dreg:$0x2];
	s4 =	simm.s32 $0x0;
	s2 =	stileid.u32  }
0x4: {  	s1 =	srdreg.scid;
	s19 =	simm.s32 $0x1;
	s24 =	simm.s32 $0xB880  }
0x5: {  	s25 =	simm.s32 $0xBA00;
	s28 =	simm.s32 $0x0;
	s14 =	smul.u32 $0x500, s2  }
0x6: {  	[smem:$0x7FF] =	sst s4;
	s20 =	smul.u32 $0x140, s2;
	s6 =	sadd.s32 $0xC00, s10  }
0x7: {  	s7 =	sadd.s32 $0x400, s10;
	s5 =	sand.u32 $0x1, s1;
	s31 =	sshrl.u32 s14, $0x2  }
0x8: {  	s8 =	sadd.s32 $0x800, s10;
	_ =	strace $0x8000004D;
	s26 =	sadd.s32 $0x8F80, s31  }
.Ltmp0:
0x9: {  	s1 =	ssub.s32 $0x2, s5;
	s9 =	sshrl.u32 s20, $0x3;
	v5 =	vmov s26;
	(pc) =	sbr.rel .LBB2_1-.Ltmp0, $4  }
0xa: {  	p0 =	sne.s32 s5, $0x0;
	s30 =	sshrl.u32 s1, $0x1;
	s12 =	sadd.s32 s9, s10  }
0xb: {  	s1 =	ssub.s32 s1, s30;
	s14 =	sadd.s32 $0x5200, s31;
	s23 =	sadd.s32 $0x6680, s31  }
0xc: {  	v0 =	vimm.f32 $1.000000000e+00;
	v1 =	vlaneseq.u32;
	s22 =	sadd.s32 $0x7B00, s31;
	s13 =	smax.u32 s1, $0x1;
	s1 =	sadd.s32 $0xA400, s31;
	v2 =	vmov s14  }
0xd: {  	s11 =	sadd.s32 s0, s9;
	s10 =	sadd.s32 $0x27800, s12;
	s12 =	sadd.s32 $0x1000, s12;
	v3 =	vmov s23;
	v4 =	vmov s22;
	v6 =	vmov s1  }
.LBB2_24:
0xe: {  	s28 =	sadd.s32 $0x1, s28  }
0xf: {  	p1 =	sne.s32 s28, s13  }
.Ltmp1:
0x10: {  	_ = 	snop;
	(pc) =	sbr.rel @!p1 .LBB2_25-.Ltmp1, $1  }
0x11: {  	_ =	sdelay $0x3  }
.LBB2_1:
.Ltmp2:
0x12: {  	(pc) =	sbr.rel @p0 .LBB2_5-.Ltmp2, $1  }
0x13: {  	_ =	sdelay $0x3  }
0x14: {  	s0 =	simm.s32 $0x0  }
0x15: {  	[tilespmem:s0], [sflag:$0x1] =	stream.linear.gather [hbm4b:s6+s0], $0x1400, $0x38;
	[tilespmem:$0xBE80] =	vst v63  }
0x16: {  	_ =	swait.ge [sflag:s19], $0x1400  }
0x17: {  	[sflag:s19] =	ssyncset.done $0x0  }
0x18: {  	s5 =	simm.s32 $0x1480;
	[sflag:s19] =	ssyncadd.s32 $0xFFFFEC00  }
0x19: {  	[tilespmem:s5], [sflag:$0x1] =	stream.linear.gather [hbm4b:s7+s0], $0x1400, $0x38;
	[tilespmem:$0xBE80] =	vst v63  }
0x1a: {  	_ =	swait.ge [sflag:s19], $0x1400  }
0x1b: {  	[sflag:s19] =	ssyncset.done $0x0  }
0x1c: {  	s29 =	simm.s32 $0x2900;
	[sflag:s19] =	ssyncadd.s32 $0xFFFFEC00  }
0x1d: {  	[tilespmem:s29], [sflag:$0x1] =	stream.linear.gather [hbm4b:s8+s0], $0x1400, $0x38;
	[tilespmem:$0xBE80] =	vst v63  }
0x1e: {  	_ =	swait.ge [sflag:s19], $0x1400  }
0x1f: {  	[sflag:s19] =	ssyncset.done $0x0  }
0x20: {  	[sflag:s19] =	ssyncadd.s32 $0xFFFFEC00  }
0x21: {  	s15 =	simm.s32 $0x3D80;
	s30 =	rddreg [dreg:$0x0]  }
0x22: {  	[tilespmem:s15], [sflag:$0x1] =	stream.linear.gather [hbm4b:s30+s0], $0x1400, $0x38;
	[tilespmem:$0xBE80] =	vst v63  }
0x23: {  	_ =	swait.ge [sflag:s19], $0x1400  }
0x24: {  	[sflag:s19] =	ssyncset.done $0x0  }
0x25: {  	s31 =	simm.s32 $0xBB80;
	[sflag:s19] =	ssyncadd.s32 $0xFFFFEC00  }
0x26: {  	[tilespmem:s31], [sflag:$0x1] =	stream.linear.gather [hbm4b:s10+s0], $0x140, $0x38;
	[tilespmem:$0xBE80] =	vst v63  }
0x27: {  	_ =	swait.ge [sflag:s19], $0x140  }
0x28: {  	[sflag:s19] =	ssyncset.done $0x0  }
0x29: {  	s5 =	simm.s32 $0x0;
	[sflag:s19] =	ssyncadd.s32 $0xFFFFFEC0  }
0x2a: {  	v11 =	vld [tilespmem:s5+$0x0]  }
0x2b: {  	v12 =	vld [tilespmem:s5+$0x2900]  }
0x2c: {  	v13 =	vld [tilespmem:s5+$0x1480]  }
0x2d: {  	v14 =	vld [tilespmem:s5+$0x3D80];
	_ =	sdelay $0x1  }
0x2e: {  	s0 =	simm.s32 $0x10  }
0x2f: {  	v7 =	vld [tilespmem:s0+$0x0]  }
0x30: {  	v8 =	vld [tilespmem:s0+$0x1480];
	v15 =	vmin.f32 v11, v12  }
0x31: {  	v9 =	vld [tilespmem:s0+$0x2900];
	v16 =	vmin.f32 v13, v14;
	v17 =	vmax.f32 v11, v12;
	v11 =	vmax.f32 v13, v14;
	[tilespmem:s5+$0x5200] =	vst v15  }
0x32: {  	v12 =	vsub.f32 v17, v15;
	v13 =	vsub.f32 v11, v16;
	v10 =	vld [tilespmem:s0+$0x3D80];
	[tilespmem:s5+$0x6680] =	vst v16  }
0x33: {  	s15 =	simm.s32 $0x80;
	[tilespmem:s5+$0x7B00] =	vst v17  }
.LBB2_3:
0x34: {  	s16 =	sshra.s32 s15, $0x2;
	[tilespmem:s5+$0x8F80] =	vst v11;
	v11 =	vmul.f32 v13, v12;
	v12 =	vmov v7;
	p1 =	sne.s32 s15, $0x4FC0  }
.Ltmp3:
0x35: {  	v7 =	vld [tilespmem:s16+$0x0];
	v13 =	vmov v8;
	(pc) =	sbr.rel @p1 .LBB2_3-.Ltmp3, $4  }
0x36: {  	v8 =	vld [tilespmem:s16+$0x1480];
	v14 =	vmin.f32 v12, v9;
	[tilespmem:s5+$0xA400] =	vst v11;
	s5 =	smov.u32 s0;
	s0 =	smov.u32 s16  }
0x37: {  	s15 =	sadd.s32 $0x40, s15;
	v16 =	vmax.f32 v12, v9;
	v15 =	vmin.f32 v13, v10;
	v9 =	vld [tilespmem:s0+$0x2900];
	v11 =	vmax.f32 v13, v10;
	[tilespmem:s5+$0x5200] =	vst v14  }
0x38: {  	v12 =	vsub.f32 v16, v14;
	v10 =	vld [tilespmem:s0+$0x3D80];
	[tilespmem:s5+$0x6680] =	vst v15;
	v13 =	vsub.f32 v11, v15  }
0x39: {  	[tilespmem:s5+$0x7B00] =	vst v16  }
0x3a: {  	_ = 	snop  }
0x3b: {  	v12 =	vmul.f32 v13, v12  }
0x3c: {  	[tilespmem:s5+$0x8F80] =	vst v11;
	v62 =	vmin.f32 v7, v9  }
0x3d: {  	[tilespmem:s5+$0xA400] =	vst v12;
	v7 =	vmax.f32 v7, v9;
	v63 =	vmin.f32 v8, v10;
	v8 =	vmax.f32 v8, v10  }
0x3e: {  	[tilespmem:s0+$0x5200] =	vst v62;
	v9 =	vsub.f32 v7, v62;
	v10 =	vsub.f32 v8, v63  }
0x3f: {  	[tilespmem:s0+$0x7B00] =	vst v7  }
0x40: {  	[tilespmem:s0+$0x6680] =	vst v63;
	v7 =	vmul.f32 v10, v9  }
0x41: {  	[tilespmem:s0+$0x8F80] =	vst v8  }
0x42: {  	[tilespmem:s0+$0xA400] =	vst v7  }
0x43: {  	[tilespmem:$0xB880] =	vst v0  }
0x44: {  	[tilespmem:$0xB890] =	vst v0  }
0x45: {  	[tilespmem:$0xB8A0] =	vst v0  }
0x46: {  	[tilespmem:$0xB8B0] =	vst v0  }
0x47: {  	[tilespmem:$0xB8C0] =	vst v0  }
0x48: {  	[tilespmem:$0xB8D0] =	vst v0  }
0x49: {  	[tilespmem:$0xB8E0] =	vst v0  }
0x4a: {  	[tilespmem:$0xB8F0] =	vst v0  }
0x4b: {  	[tilespmem:$0xB900] =	vst v0  }
0x4c: {  	[tilespmem:$0xB910] =	vst v0  }
0x4d: {  	[tilespmem:$0xB920] =	vst v0  }
0x4e: {  	[tilespmem:$0xB930] =	vst v0  }
0x4f: {  	[tilespmem:$0xB940] =	vst v0  }
0x50: {  	[tilespmem:$0xB950] =	vst v0  }
0x51: {  	[tilespmem:$0xB960] =	vst v0  }
0x52: {  	[tilespmem:$0xB970] =	vst v0  }
0x53: {  	[tilespmem:$0xB980] =	vst v0  }
0x54: {  	[tilespmem:$0xB990] =	vst v0  }
0x55: {  	[tilespmem:$0xB9A0] =	vst v0  }
0x56: {  	[tilespmem:$0xB9B0] =	vst v0  }
.LBB2_5:
.Ltmp4:
0x57: {  	(pc) =	sbr.rel .LBB2_6-.Ltmp4, $2  }
0x58: {  	_ =	sdelay $0x2  }
0x59: {  	s29 =	simm.s32 $0x0  }
.LBB2_19:
0x5a: {  	s29 =	sadd.s32 $0x1, s29  }
0x5b: {  	p1 =	sne.s32 s29, $0x10  }
.Ltmp5:
0x5c: {  	_ = 	snop;
	(pc) =	sbr.rel @!p1 .LBB2_20-.Ltmp5, $1  }
0x5d: {  	_ =	sdelay $0x3  }
.LBB2_6:
0x5e: {  	p1 =	sne.s32 @!p0 s2, s29  }
0x5f: {  	p1 =	por p0, p1  }
.Ltmp6:
0x60: {  	_ = 	snop;
	(pc) =	sbr.rel @!p1 .LBB2_7-.Ltmp6, $4  }
.Ltmp7:
0x61: {  	_ = 	snop;
	(pc) =	sbr.rel @p1 .LBB2_12-.Ltmp7, $4  }
0x62: {  	_ = 	snop  }
0x63: {  	_ = 	snop  }
0x64: {  	s30 =	simm.s32 $0x0  }
0x65: {  	_ = 	snop  }
.LBB2_10:
0x66: {  	s30 =	sadd.s32 $0x1, s30  }
0x67: {  	p1 =	sne.s32 s30, $0x140  }
.Ltmp8:
0x68: {  	_ = 	snop;
	(pc) =	sbr.rel @!p1 .LBB2_11-.Ltmp8, $1  }
0x69: {  	_ =	sdelay $0x3  }
.LBB2_7:
0x6a: {  	v7 =	vld [tilespmem:s30+$0xB880];
	_ =	sdelay $0x4  }
0x6b: {  	(v2sf) =	vpush v7, $0x0;
	_ =	sdelay $0xe  }
0x6c: {  	s0 =	spop (v2sf)  }
0x6d: {  	p1 =	sgt.f32 s0, $0.0e+00  }
.Ltmp9:
0x6e: {  	_ = 	snop;
	(pc) =	sbr.rel @!p1 .LBB2_10-.Ltmp9, $1  }
0x6f: {  	_ =	sdelay $0x3  }
0x70: {  	s5 =	sshrl.u32 s30, $0x4  }
0x71: {  	s0 =	sshll.u32 s5, $0x6  }
0x72: {  	s0 =	sshrl.u32 s0, $0x2  }
0x73: {  	s15 =	sadd.s32 s20, s30;
	v7 =	vmov s0  }
0x74: {  	v8 =	vld.msk [tilespmem:s15+$0x5200 ss:$0x0], $0xffff  }
0x75: {  	v9 =	vld.msk [tilespmem:s15+$0x6680 ss:$0x0], $0xffff  }
0x76: {  	v10 =	vld.msk [tilespmem:s15+$0x7B00 ss:$0x0], $0xffff  }
0x77: {  	v11 =	vld.msk [tilespmem:s15+$0x8F80 ss:$0x0], $0xffff  }
0x78: {  	v13 =	vld.idx.msk [tilespmem:v7+s14+$0x0 ss:$0x1], $0xffff  }
0x79: {  	v14 =	vld.idx.msk [tilespmem:v7+s22+$0x0 ss:$0x1], $0xffff  }
0x7a: {  	v15 =	vld.idx.msk [tilespmem:v7+s23+$0x0 ss:$0x1], $0xffff  }
0x7b: {  	v16 =	vld.idx.msk [tilespmem:v7+s26+$0x0 ss:$0x1], $0xffff;
	_ =	sdelay $0x2  }
0x7c: {  	v12 =	vld.msk [tilespmem:s15+$0xA400 ss:$0x0], $0xffff  }
0x7d: {  	v17 =	vld.idx.msk [tilespmem:v7+s1+$0x0 ss:$0x1], $0xffff;
	v13 =	vmax.f32 v13, v8  }
0x7e: {  	v15 =	vmax.f32 v15, v9;
	v14 =	vmin.f32 v14, v10;
	v16 =	vmin.f32 v16, v11  }
0x7f: {  	v13 =	vsub.f32 v14, v13;
	v14 =	vsub.f32 v16, v15;
	_ =	sdelay $0x1  }
0x80: {  	v13 =	vmax.f32 v13, $0.0e+00;
	v14 =	vmax.f32 v14, $0.0e+00  }
0x81: {  	v13 =	vmul.f32 v14, v13;
	v14 =	vadd.f32 v17, v12;
	_ =	sdelay $0x1  }
0x82: {  	v14 =	vsub.f32 v14, v13;
	_ =	sdelay $0x1  }
0x83: {  	v14 =	vadd.f32 $9.999999710e-10, v14;
	_ =	sdelay $0x1  }
0x84: {  	(erf) = vrcp.f32 v14;
	_ =	sdelay $0x7  }
0x85: {  	s5 =	sadd.s32 $0xFFFFFFFF, s5;
	s0 =	simm.s32 $0xB880  }
0x86: {  	s16 =	sand.u32 $0xFFFFFFF0, s30;
	s5 =	sadd.s32 $0x1, s5;
	v14 =	vld.idx.msk [tilespmem:v7+s0+$0x0 ss:$0x1], $0xffff;
	v15 =	vpop (erf)  }
0x87: {  	s31 =	sadd.s32 s16, s20;
	p1 =	slt.u32 s5, $0x13;
	v15 =	vmul.f32 v15, v13  }
.Ltmp10:
0x88: {  	v63 =	vor.u32 s31, v1;
	v13 =	vmov s15;
	(pc) =	sbr.rel @!p1 .LBB2_10-.Ltmp10, $4  }
0x89: {  	vm1 =	vgt.u32 v63, v13;
	vm0 =	vgt.f32 v15, $5.000000000e-01  }
0x8a: {  	vm0 =	vmand vm1, vm0  }
0x8b: {  	s21 =	sadd.s32 $0x10, s14;
	s17 =	smov.u32 s26;
	v14 =	vsel vm0, $0x0, v14  }
0x8c: {  	s18 =	smov.u32 s1;
	s16 =	smov.u32 s22;
	s15 =	smov.u32 s23;
	[tilespmem:v7+s0+$0x0 ss:$0x1] =	vst.idx.msk $0xffff, v14  }
.LBB2_9:
0x8d: {  	v14 =	vld.idx.msk [tilespmem:v7+s21+$0x0 ss:$0x1], $0xffff;
	s16 =	sadd.s32 $0x10, s16  }
0x8e: {  	s15 =	sadd.s32 $0x10, s15;
	v15 =	vld.idx.msk [tilespmem:v7+s16+$0x0 ss:$0x1], $0xffff  }
0x8f: {  	s17 =	sadd.s32 $0x10, s17;
	v16 =	vld.idx.msk [tilespmem:v7+s15+$0x0 ss:$0x1], $0xffff  }
0x90: {  	s5 =	sadd.s32 $0x1, s5;
	v17 =	vld.idx.msk [tilespmem:v7+s17+$0x0 ss:$0x1], $0xffff  }
0x91: {  	p1 =	slt.u32 s5, $0x13;
	_ =	sdelay $0x1  }
0x92: {  	s18 =	sadd.s32 $0x10, s18  }
0x93: {  	v18 =	vld.idx.msk [tilespmem:v7+s18+$0x0 ss:$0x1], $0xffff  }
0x94: {  	v14 =	vmax.f32 v14, v8  }
0x95: {  	v15 =	vmin.f32 v15, v10;
	v16 =	vmax.f32 v16, v9;
	v17 =	vmin.f32 v17, v11  }
0x96: {  	v14 =	vsub.f32 v15, v14;
	v15 =	vsub.f32 v17, v16;
	_ =	sdelay $0x1  }
0x97: {  	v14 =	vmax.f32 v14, $0.0e+00;
	v15 =	vmax.f32 v15, $0.0e+00  }
0x98: {  	v14 =	vmul.f32 v15, v14;
	v15 =	vadd.f32 v18, v12;
	_ =	sdelay $0x1  }
0x99: {  	v15 =	vsub.f32 v15, v14;
	_ =	sdelay $0x1  }
0x9a: {  	v15 =	vadd.f32 $9.999999710e-10, v15;
	_ =	sdelay $0x1  }
0x9b: {  	(erf) = vrcp.f32 v15;
	_ =	sdelay $0x6  }
0x9c: {  	s0 =	sadd.s32 $0x10, s0  }
0x9d: {  	v15 =	vld.idx.msk [tilespmem:v7+s0+$0x0 ss:$0x1], $0xffff  }
0x9e: {  	v16 =	vpop (erf)  }
0x9f: {  	s31 =	sadd.s32 $0x10, s31;
	v14 =	vmul.f32 v16, v14  }
.Ltmp11:
0xa0: {  	v16 =	vor.u32 s31, v1;
	(pc) =	sbr.rel @p1 .LBB2_9-.Ltmp11, $4  }
0xa1: {  	vm1 =	vgt.u32 v16, v13;
	vm0 =	vgt.f32 v14, $5.000000000e-01  }
0xa2: {  	vm0 =	vmand vm1, vm0  }
0xa3: {  	v14 =	vsel vm0, $0x0, v15  }
0xa4: {  	s21 =	sadd.s32 $0x10, s21;
	[tilespmem:v7+s0+$0x0 ss:$0x1] =	vst.idx.msk $0xffff, v14  }
.Ltmp12:
0xa5: {  	_ = 	snop;
	(pc) =	sbr.rel .LBB2_10-.Ltmp12, $1  }
0xa6: {  	_ =	sdelay $0x3  }
.LBB2_11:
0xa7: {  	s0 =	sadd.s32 s9, s3  }
0xa8: {  	[hbm4b:s0+s4] =	stream.linear.scatter [tilespmem:s24], [sflag:$0x1], $0x140, $0x38;
	[tilespmem:$0xBE80] =	vst v63  }
0xa9: {  	_ =	swait.ge [sflag:s19], $0x140  }
0xaa: {  	[sflag:s19] =	ssyncset.done $0x0  }
0xab: {  	[sflag:s19] =	ssyncadd.s32 $0xFFFFFEC0  }
.LBB2_12:
0xac: {  	p1 =	sle.u32 @!p0 s2, s29  }
0xad: {  	p1 =	por p0, p1  }
.Ltmp13:
0xae: {  	_ = 	snop;
	(pc) =	sbr.rel @p1 .LBB2_19-.Ltmp13, $2  }
0xaf: {  	_ =	sdelay $0x1  }
0xb0: {  	[bflag:$0x0] =	sbarrier.arrive $0xFFFF;
	_ =	sdelay $0x1  }
0xb1: {  	s30 =	smul.u32 $0x140, s29;
	_ =	sdelay $0x1  }
0xb2: {  	s0 =	sshrl.u32 s30, $0x3  }
.Ltmp14:
0xb3: {  	s31 =	simm.s32 $0x0;
	s0 =	sadd.s32 s0, s3;
	(pc) =	sbr.rel .LBB2_14-.Ltmp14, $4  }
0xb4: {  	[tilespmem:s25], [sflag:$0x1] =	stream.linear.gather [hbm4b:s0+s31], $0x140, $0x38;
	[tilespmem:$0xBE80] =	vst v63  }
0xb5: {  	_ =	swait.ge [sflag:s19], $0x140  }
0xb6: {  	[sflag:s19] =	ssyncset.done $0x0  }
0xb7: {  	[sflag:s19] =	ssyncadd.s32 $0xFFFFFEC0  }
.LBB2_18:
0xb8: {  	s31 =	sadd.s32 $0x1, s31  }
0xb9: {  	p1 =	sne.s32 s31, $0x140  }
.Ltmp15:
0xba: {  	_ = 	snop;
	(pc) =	sbr.rel @!p1 .LBB2_19-.Ltmp15, $1  }
0xbb: {  	_ =	sdelay $0x3  }
.LBB2_14:
0xbc: {  	v7 =	vld [tilespmem:s31+$0xBA00];
	_ =	sdelay $0x4  }
0xbd: {  	(v2sf) =	vpush v7, $0x0;
	_ =	sdelay $0xe  }
0xbe: {  	s0 =	spop (v2sf)  }
0xbf: {  	p1 =	sgt.f32 s0, $0.0e+00  }
.Ltmp16:
0xc0: {  	_ = 	snop;
	(pc) =	sbr.rel @!p1 .LBB2_18-.Ltmp16, $1  }
0xc1: {  	_ =	sdelay $0x3  }
0xc2: {  	s0 =	sadd.s32 s30, s31  }
0xc3: {  	v7 =	vld.msk [tilespmem:s0+$0x5200 ss:$0x0], $0xffff  }
0xc4: {  	v8 =	vld.msk [tilespmem:s0+$0x6680 ss:$0x0], $0xffff  }
0xc5: {  	v9 =	vld.msk [tilespmem:s0+$0x7B00 ss:$0x0], $0xffff  }
0xc6: {  	s5 =	simm.s32 $0x0;
	v10 =	vld.msk [tilespmem:s0+$0x8F80 ss:$0x0], $0xffff  }
0xc7: {  	v12 =	vld.idx.msk [tilespmem:v2+s5+$0x0 ss:$0x1], $0xffff  }
0xc8: {  	v13 =	vld.idx.msk [tilespmem:v4+s5+$0x0 ss:$0x1], $0xffff  }
0xc9: {  	v14 =	vld.idx.msk [tilespmem:v3+s5+$0x0 ss:$0x1], $0xffff  }
0xca: {  	v15 =	vld.idx.msk [tilespmem:v5+s5+$0x0 ss:$0x1], $0xffff;
	_ =	sdelay $0x2  }
0xcb: {  	v11 =	vld.msk [tilespmem:s0+$0xA400 ss:$0x0], $0xffff  }
0xcc: {  	v16 =	vld.idx.msk [tilespmem:v6+s5+$0x0 ss:$0x1], $0xffff;
	v12 =	vmax.f32 v12, v7  }
0xcd: {  	v14 =	vmax.f32 v14, v8;
	v13 =	vmin.f32 v13, v9;
	v15 =	vmin.f32 v15, v10  }
0xce: {  	v12 =	vsub.f32 v13, v12;
	v13 =	vsub.f32 v15, v14;
	_ =	sdelay $0x1  }
0xcf: {  	v12 =	vmax.f32 v12, $0.0e+00;
	v13 =	vmax.f32 v13, $0.0e+00  }
0xd0: {  	v12 =	vmul.f32 v13, v12;
	v13 =	vadd.f32 v16, v11;
	_ =	sdelay $0x1  }
0xd1: {  	v13 =	vsub.f32 v13, v12;
	_ =	sdelay $0x1  }
0xd2: {  	v13 =	vadd.f32 $9.999999710e-10, v13;
	_ =	sdelay $0x1  }
0xd3: {  	(erf) = vrcp.f32 v13;
	_ =	sdelay $0x8  }
0xd4: {  	v13 =	vld [tilespmem:s5+$0xB880];
	v14 =	vpop (erf)  }
0xd5: {  	v14 =	vmul.f32 v14, v12  }
0xd6: {  	v15 =	vor.u32 s20, v1;
	v12 =	vmov s0  }
0xd7: {  	vm1 =	vgt.u32 v15, v12;
	vm0 =	vgt.f32 v14, $5.000000000e-01  }
0xd8: {  	vm0 =	vmand vm1, vm0  }
0xd9: {  	v13 =	vsel vm0, $0x0, v13  }
0xda: {  	s0 =	simm.s32 $0x10;
	[tilespmem:s5+$0xB880] =	vst v13  }
0xdb: {  	v14 =	vld.idx.msk [tilespmem:v2+s0+$0x0 ss:$0x1], $0xffff  }
0xdc: {  	v13 =	vld.idx.msk [tilespmem:v4+s0+$0x0 ss:$0x1], $0xffff  }
0xdd: {  	s15 =	simm.s32 $0x80;
	s5 =	smov.u32 s20;
	v15 =	vld.idx.msk [tilespmem:v3+s0+$0x0 ss:$0x1], $0xffff  }
.LBB2_16:
0xde: {  	p1 =	sne.s32 s15, $0x4C0;
	v16 =	vld.idx.msk [tilespmem:v5+s0+$0x0 ss:$0x1], $0xffff;
	_ =	sdelay $0x3  }
0xdf: {  	v17 =	vld.idx.msk [tilespmem:v6+s0+$0x0 ss:$0x1], $0xffff  }
0xe0: {  	v14 =	vmax.f32 v14, v7  }
0xe1: {  	v13 =	vmin.f32 v13, v9;
	v15 =	vmax.f32 v15, v8;
	v16 =	vmin.f32 v16, v10  }
0xe2: {  	v13 =	vsub.f32 v13, v14;
	v14 =	vsub.f32 v16, v15;
	_ =	sdelay $0x1  }
0xe3: {  	v13 =	vmax.f32 v13, $0.0e+00;
	v14 =	vmax.f32 v14, $0.0e+00  }
0xe4: {  	v13 =	vmul.f32 v14, v13;
	v14 =	vadd.f32 v17, v11;
	_ =	sdelay $0x1  }
0xe5: {  	v14 =	vsub.f32 v14, v13;
	_ =	sdelay $0x1  }
0xe6: {  	v14 =	vadd.f32 $9.999999710e-10, v14;
	_ =	sdelay $0x1  }
0xe7: {  	(erf) = vrcp.f32 v14;
	_ =	sdelay $0x8  }
0xe8: {  	v14 =	vld [tilespmem:s0+$0xB880];
	v15 =	vpop (erf)  }
0xe9: {  	s5 =	sadd.s32 $0x10, s5;
	v13 =	vmul.f32 v15, v13  }
0xea: {  	v15 =	vor.u32 s5, v1  }
0xeb: {  	vm1 =	vgt.u32 v15, v12;
	vm0 =	vgt.f32 v13, $5.000000000e-01  }
0xec: {  	vm0 =	vmand vm1, vm0  }
.Ltmp17:
0xed: {  	v13 =	vsel vm0, $0x0, v14;
	(pc) =	sbr.rel @p1 .LBB2_16-.Ltmp17, $4  }
0xee: {  	[tilespmem:s0+$0xB880] =	vst v13;
	s0 =	sshra.s32 s15, $0x2  }
0xef: {  	v14 =	vld.idx.msk [tilespmem:v2+s0+$0x0 ss:$0x1], $0xffff  }
0xf0: {  	v13 =	vld.idx.msk [tilespmem:v4+s0+$0x0 ss:$0x1], $0xffff  }
0xf1: {  	s15 =	sadd.s32 $0x40, s15;
	v15 =	vld.idx.msk [tilespmem:v3+s0+$0x0 ss:$0x1], $0xffff  }
0xf2: {  	_ =	sdelay $0x3  }
0xf3: {  	v16 =	vld.idx.msk [tilespmem:v5+s0+$0x0 ss:$0x1], $0xffff;
	_ =	sdelay $0x3  }
0xf4: {  	v17 =	vld.idx.msk [tilespmem:v6+s0+$0x0 ss:$0x1], $0xffff;
	v7 =	vmax.f32 v14, v7  }
0xf5: {  	v9 =	vmin.f32 v13, v9;
	v8 =	vmax.f32 v15, v8;
	v10 =	vmin.f32 v16, v10  }
0xf6: {  	v7 =	vsub.f32 v9, v7;
	v8 =	vsub.f32 v10, v8;
	_ =	sdelay $0x1  }
0xf7: {  	v7 =	vmax.f32 v7, $0.0e+00;
	v8 =	vmax.f32 v8, $0.0e+00  }
0xf8: {  	v7 =	vmul.f32 v8, v7;
	v8 =	vadd.f32 v17, v11;
	_ =	sdelay $0x1  }
0xf9: {  	v8 =	vsub.f32 v8, v7;
	_ =	sdelay $0x1  }
0xfa: {  	v8 =	vadd.f32 $9.999999710e-10, v8;
	_ =	sdelay $0x1  }
0xfb: {  	(erf) = vrcp.f32 v8;
	_ =	sdelay $0x8  }
0xfc: {  	v8 =	vld [tilespmem:s0+$0xB880];
	v62 =	vpop (erf)  }
0xfd: {  	s5 =	sadd.s32 $0x10, s5;
	v7 =	vmul.f32 v62, v7  }
.Ltmp18:
0xfe: {  	v63 =	vor.u32 s5, v1;
	(pc) =	sbr.rel .LBB2_18-.Ltmp18, $4  }
0xff: {  	vm1 =	vgt.u32 v63, v12;
	vm0 =	vgt.f32 v7, $5.000000000e-01  }
0x100: {  	vm0 =	vmand vm1, vm0  }
0x101: {  	v7 =	vsel vm0, $0x0, v8  }
0x102: {  	[tilespmem:s0+$0xB880] =	vst v7  }
.LBB2_20:
.Ltmp19:
0x103: {  	(pc) =	sbr.rel @p0 .LBB2_24-.Ltmp19, $1  }
0x104: {  	_ =	sdelay $0x3  }
0x105: {  	s0 =	simm.s32 $0x0  }
0x106: {  	v7 =	vld [tilespmem:s0+$0xBB80]  }
0x107: {  	s5 =	simm.s32 $0x40;
	v8 =	vld [tilespmem:s0+$0xB880]  }
.LBB2_22:
0x108: {  	_ = 	snop  }
0x109: {  	p1 =	sne.s32 s5, $0x4C0  }
.Ltmp20:
0x10a: {  	_ = 	snop;
	(pc) =	sbr.rel @p1 .LBB2_22-.Ltmp20, $4  }
0x10b: {  	_ = 	snop  }
0x10c: {  	s15 =	sshra.s32 s5, $0x2;
	v9 =	vmul.f32 v8, v7  }
0x10d: {  	v7 =	vld [tilespmem:s15+$0xBB80]  }
0x10e: {  	s5 =	sadd.s32 $0x40, s5;
	v8 =	vld [tilespmem:s15+$0xB880];
	[tilespmem:s0+$0xBD00] =	vst v9;
	s0 =	smov.u32 s15  }
0x10f: {  	_ =	sdelay $0x3  }
0x110: {  	v7 =	vmul.f32 v8, v7;
	_ =	sdelay $0x1  }
0x111: {  	s31 =	simm.s32 $0xBD00;
	[tilespmem:s0+$0xBD00] =	vst v7  }
0x112: {  	[hbm4b:s11+s4] =	stream.linear.scatter [tilespmem:s31], [sflag:$0x1], $0x140, $0x38;
	[tilespmem:$0xBE80] =	vst v63  }
0x113: {  	_ =	swait.ge [sflag:s19], $0x140  }
0x114: {  	[sflag:s19] =	ssyncset.done $0x0  }
.Ltmp21:
0x115: {  	[sflag:s19] =	ssyncadd.s32 $0xFFFFFEC0;
	(pc) =	sbr.rel .LBB2_24-.Ltmp21, $4  }
0x116: {  	[hbm4b:s12+s4] =	stream.linear.scatter [tilespmem:s24], [sflag:$0x1], $0x140, $0x38;
	[tilespmem:$0xBE80] =	vst v63  }
0x117: {  	_ =	swait.ge [sflag:s19], $0x140  }
0x118: {  	[sflag:s19] =	ssyncset.done $0x0  }
0x119: {  	[sflag:s19] =	ssyncadd.s32 $0xFFFFFEC0  }
.LBB2_25:
0x11a: {  	_ =	sfence.sel $0x180000  }
0x11b: {  	[bflag:$0x0] =	sbarrier.arrive $0xFFFF  }
0x11c: {  	_ =	strace $0x9000004D  }
0x11d: {  	[bflag:$0x2] =	sbarrier.arrive $0xFFFF  }
0x11e: {  	p0 =	sne.s32 s2, $0x0;
	s0 =	rddreg [dreg:$0x3]  }
0x11f: {  	s0 =	sadd.s32 @!p0 $0x100000, s0  }
0x120: {  	[sflag:s0] =	ssyncadd.tile.s32 @!p0 $0x1;
	_ =	shalt  }
.Lfunc_end2:
_tile_overlayer_lowered:
.L_overlay_start_2:
0x121: {  	(tag) =	ssettag $0x2  }
0x122: {  	s0 =	rddreg [dreg:$0x0];
	s2 =	stileid.u32  }
0x123: {  	s1 =	rddreg [dreg:$0x1];
	p0 =	sne.s32 s2, $0x0  }
0x124: {  	s3 =	rddreg [dreg:$0x2];
	[bflag:$0x3] =	sbarrier.arrive $0xFFFF;
	s2 =	simm.s32 @!p0 $0x1C01  }
0x125: {  	[timem:s3], [sflag:s2] =	dma.local @!p0 [hbm:s0], s1  }
0x126: {  	s0 =	simm.s32 @!p0 $0x1  }
0x127: {  	_ =	swait.ge @!p0 [sflag:s0], s1  }
0x128: {  	s1 =	ssub.s32 @!p0 $0x0, s1;
	[sflag:s0] =	ssyncset.done @!p0 $0x0  }
0x129: {  	[sflag:s0] =	ssyncadd.s32 @!p0 s1  }
0x12a: {  	[bflag:$0x3] =	sbarrier.arrive $0xFFFF  }
0x12b: {  	_ =	shalt  }

</sc_bundles>
